<compile_context>
chip_gen: v7x
topology: tpu7x:2x2x1
jax: 0.10.2.dev20260603
libtpu: 0.0.44.dev20260713+nightly
codegen_flags: <defaults>
</compile_context>

<pallas_src>
import jax
import jax.numpy as jnp
from jax import lax
from jax.experimental import pallas as pl
from jax.experimental.pallas import tpu as pltpu
from jax.experimental.pallas import tpu_sc as plsc

_E = 800000
_N = 50000
_H = 16
_ER = 6250
_BN = 2000
_BE2 = 8000


def _norm_tri_body(edges_ref, s_ref, r_ref, norm_ref, tri_ref):
    tri_ref[...] = jnp.where(s_ref[...] >= r_ref[...], edges_ref[...], 0.0)
    norm_ref[...] = jnp.max(jnp.abs(edges_ref[...])).reshape(1, 1)


def _pq_body(nodes_ref, nW_ref, nb_ref, Ws_ref, Wr_ref, p_ref, q_ref):
    n0 = jnp.tanh(nodes_ref[...] * nW_ref[...] + nb_ref[...])
    p_ref[...] = jnp.dot(n0, Ws_ref[...], preferred_element_type=jnp.float32)
    q_ref[...] = jnp.dot(n0, Wr_ref[...], preferred_element_type=jnp.float32)


def _cw_body(win_ref, g_ref, w_ref, c_ref, sw_ref):
    c_ref[...] = (jnp.where(win_ref[...] == 0, w_ref[...], 0.0)
                  + 0.5 * g_ref[...])
    sw_ref[...] = jnp.sum(w_ref[...]).reshape(1, 1)


def _edge_body(edges_ref, sp_ref, sq_ref, c_ref, norm_ref,
               eW_ref, eb_ref, We3_ref, be_ref, s0_ref):
    i = pl.program_id(0)
    e = edges_ref[...] / norm_ref[...]
    ef0 = jnp.tanh(e * eW_ref[...] + eb_ref[...])
    r = jnp.dot(ef0, We3_ref[...], preferred_element_type=jnp.float32) + be_ref[...]
    ef1 = jnp.tanh(sp_ref[...] + sq_ref[...] + r)
    crow = c_ref[...].reshape(1, _BE2)
    contrib = jnp.dot(crow, ef1, preferred_element_type=jnp.float32)

    @pl.when(i == 0)
    def _():
        s0_ref[...] = contrib

    @pl.when(i > 0)
    def _():
        s0_ref[...] = s0_ref[...] + contrib


_NC = 2
_NS = 16
_NW = _NC * _NS
_EPW = _E // _NW
_GCH = 1000
_GIT = _EPW // _GCH


def _gather_body(p_hbm, q_hbm, s_hbm, r_hbm, sp_hbm, sq_hbm,
                 sidx_v, ridx_v, prow_v, qrow_v, sem1, sem2):
    wid = lax.axis_index("s") * _NC + lax.axis_index("c")
    base = wid * _EPW

    def step(t, carry):
        off = base + t * _GCH
        cp1 = pltpu.async_copy(s_hbm.at[pl.ds(off, _GCH)], sidx_v, sem1)
        cp2 = pltpu.async_copy(r_hbm.at[pl.ds(off, _GCH)], ridx_v, sem2)
        cp1.wait()
        cp2.wait()
        cp3 = pltpu.async_copy(p_hbm.at[sidx_v], prow_v, sem1)
        cp4 = pltpu.async_copy(q_hbm.at[ridx_v], qrow_v, sem2)
        cp3.wait()
        cp4.wait()
        cp5 = pltpu.async_copy(prow_v, sp_hbm.at[pl.ds(off, _GCH)], sem1)
        cp6 = pltpu.async_copy(qrow_v, sq_hbm.at[pl.ds(off, _GCH)], sem2)
        cp5.wait()
        cp6.wait()
        return carry

    lax.fori_loop(0, _GIT, step, 0)


def _sc_gather(P, Q, senders, receivers):
    mesh = plsc.VectorSubcoreMesh(core_axis_name="c", subcore_axis_name="s",
                                  num_cores=_NC, num_subcores=_NS)
    f = pl.kernel(
        _gather_body,
        out_type=[
            jax.ShapeDtypeStruct((_E, _H), jnp.float32),
            jax.ShapeDtypeStruct((_E, _H), jnp.float32),
        ],
        mesh=mesh,
        scratch_types=[
            pltpu.VMEM((_GCH,), jnp.int32),
            pltpu.VMEM((_GCH,), jnp.int32),
            pltpu.VMEM((_GCH, _H), jnp.float32),
            pltpu.VMEM((_GCH, _H), jnp.float32),
            pltpu.SemaphoreType.DMA,
            pltpu.SemaphoreType.DMA,
        ],
        compiler_params=pltpu.CompilerParams(use_tc_tiling_on_sc=False),
    )
    return f(P, Q, senders, receivers)


_EH = _E // 2
_PPS = _EH // _NS
_SPS = _E // _NS
_CHP = 1000
_CHS = 2000


def _coeff_body(a_hbm, b_hbm, w_hbm, pid_hbm, zi_hbm, zf_hbm,
                win_hbm, g_hbm,
                win_sh, g_sh, wacc_sh,
                ia_v, ib_v, v_v, sem1, sem2, sem3, sem4, sem5):
    sid = lax.axis_index("s")
    pbase = sid * _PPS
    sbase = sid * _SPS

    cpi = pltpu.async_copy(zi_hbm.at[pl.ds(sbase, _SPS)],
                           win_sh.at[pl.ds(sbase, _SPS)], sem1)
    cpg = pltpu.async_copy(zf_hbm.at[pl.ds(sbase, _SPS)],
                           g_sh.at[pl.ds(sbase, _SPS)], sem4)
    cpw = pltpu.async_copy(zf_hbm.at[pl.ds(pbase, _PPS)],
                           wacc_sh.at[pl.ds(pbase, _PPS)], sem5)
    cpi.wait()

    @pl.when(sid == 0)
    def _():
        pltpu.sync_copy(zf_hbm.at[pl.ds(_EH, 8)], wacc_sh.at[pl.ds(_EH, 8)])

    plsc.subcore_barrier()

    def col0_step(k, carry):
        poff = pbase + k * _CHP
        ia = ia_v.at[pl.ds(0, _CHP)]
        ib = ib_v.at[pl.ds(0, _CHP)]
        cp1 = pltpu.async_copy(a_hbm.at[pl.ds(poff, _CHP)], ia, sem1)
        cp2 = pltpu.async_copy(pid_hbm.at[pl.ds(poff, _CHP)], ib, sem2)
        cp1.wait()
        cp2.wait()
        pltpu.sync_copy(ib, win_sh.at[ia])
        return carry

    lax.fori_loop(0, _PPS // _CHP, col0_step, 0)
    plsc.subcore_barrier()

    def col1_step(k, carry):
        poff = pbase + k * _CHP
        ia = ia_v.at[pl.ds(0, _CHP)]
        ib = ib_v.at[pl.ds(0, _CHP)]
        cp1 = pltpu.async_copy(b_hbm.at[pl.ds(poff, _CHP)], ia, sem1)
        cp2 = pltpu.async_copy(pid_hbm.at[pl.ds(poff, _CHP)], ib, sem2)
        cp1.wait()
        cp2.wait()
        pltpu.sync_copy(ib, win_sh.at[ia])
        return carry

    lax.fori_loop(0, _PPS // _CHP, col1_step, 0)
    cpw.wait()
    plsc.subcore_barrier()

    def wacc_step(k, carry):
        soff = sbase + k * _CHS
        cp1 = pltpu.async_copy(win_sh.at[pl.ds(soff, _CHS)], ia_v, sem1)
        cp2 = pltpu.async_copy(w_hbm.at[pl.ds(soff, _CHS)], v_v, sem2)
        cp1.wait()
        cp2.wait()
        pltpu.sync_copy(v_v, wacc_sh.at[ia_v], add=True)
        return carry

    lax.fori_loop(0, _SPS // _CHS, wacc_step, 0)
    cpg.wait()
    plsc.subcore_barrier()

    def g_step(k, carry):
        poff = pbase + k * _CHP
        ia = ia_v.at[pl.ds(0, _CHP)]
        ib = ib_v.at[pl.ds(0, _CHP)]
        vv = v_v.at[pl.ds(0, _CHP)]
        cp1 = pltpu.async_copy(wacc_sh.at[pl.ds(poff + 8, _CHP)], vv, sem1)
        cp2 = pltpu.async_copy(a_hbm.at[pl.ds(poff, _CHP)], ia, sem2)
        cp3 = pltpu.async_copy(b_hbm.at[pl.ds(poff, _CHP)], ib, sem3)
        cp1.wait()
        cp2.wait()
        cp3.wait()
        cpa = pltpu.async_copy(vv, g_sh.at[ia], sem1, add=True)
        cpb = pltpu.async_copy(vv, g_sh.at[ib], sem2, add=True)
        cpa.wait()
        cpb.wait()
        return carry

    lax.fori_loop(0, _PPS // _CHP, g_step, 0)
    plsc.subcore_barrier()

    cpo1 = pltpu.async_copy(win_sh.at[pl.ds(sbase, _SPS)],
                            win_hbm.at[pl.ds(sbase, _SPS)], sem1)
    cpo2 = pltpu.async_copy(g_sh.at[pl.ds(sbase, _SPS)],
                            g_hbm.at[pl.ds(sbase, _SPS)], sem2)
    cpo1.wait()
    cpo2.wait()


def _sc_coeff(a, bcol, w, pid, zi, zf):
    mesh = plsc.VectorSubcoreMesh(core_axis_name="c", subcore_axis_name="s",
                                  num_cores=1, num_subcores=_NS)
    f = pl.kernel(
        _coeff_body,
        out_type=[
            jax.ShapeDtypeStruct((_E,), jnp.int32),
            jax.ShapeDtypeStruct((_E,), jnp.float32),
        ],
        mesh=mesh,
        scratch_types=[
            pltpu.VMEM_SHARED((_E,), jnp.int32),
            pltpu.VMEM_SHARED((_E,), jnp.float32),
            pltpu.VMEM_SHARED((_EH + 8,), jnp.float32),
            pltpu.VMEM((_CHS,), jnp.int32),
            pltpu.VMEM((_CHS,), jnp.int32),
            pltpu.VMEM((_CHS,), jnp.float32),
            pltpu.SemaphoreType.DMA,
            pltpu.SemaphoreType.DMA,
            pltpu.SemaphoreType.DMA,
            pltpu.SemaphoreType.DMA,
            pltpu.SemaphoreType.DMA,
        ],
        compiler_params=pltpu.CompilerParams(use_tc_tiling_on_sc=False),
    )
    return f(a, bcol, w, pid, zi, zf)


def kernel(nodes, edges, receivers, senders, bi_edges_indx, lhs_nodes, lhs_edges,
           lhs_receivers, lhs_senders, node_enc_W, node_enc_b, edge_enc_W,
           edge_enc_b, mp_edge_W, mp_edge_b, mp_node_W, mp_node_b, edge_dec_W,
           edge_dec_b, w, b):
    edges1 = edges[:, 0]

    norm2, tri2 = pl.pallas_call(
        _norm_tri_body,
        out_shape=[
            jax.ShapeDtypeStruct((1, 1), jnp.float32),
            jax.ShapeDtypeStruct((_ER, 128), jnp.float32),
        ],
    )(edges1.reshape(_ER, 128), senders.reshape(_ER, 128),
      receivers.reshape(_ER, 128))
    tri_data = tri2.reshape(_E)

    Ws = mp_edge_W[0:_H]
    Wr = mp_edge_W[_H:2 * _H]
    We3 = mp_edge_W[2 * _H:3 * _H]
    P, Q = pl.pallas_call(
        _pq_body,
        grid=(_N // _BN,),
        in_specs=[
            pl.BlockSpec((_BN, 1), lambda i: (i, 0)),
            pl.BlockSpec((1, _H), lambda i: (0, 0)),
            pl.BlockSpec((1, _H), lambda i: (0, 0)),
            pl.BlockSpec((_H, _H), lambda i: (0, 0)),
            pl.BlockSpec((_H, _H), lambda i: (0, 0)),
        ],
        out_specs=[
            pl.BlockSpec((_BN, _H), lambda i: (i, 0)),
            pl.BlockSpec((_BN, _H), lambda i: (i, 0)),
        ],
        out_shape=[
            jax.ShapeDtypeStruct((_N, _H), jnp.float32),
            jax.ShapeDtypeStruct((_N, _H), jnp.float32),
        ],
    )(nodes, node_enc_W, node_enc_b.reshape(1, _H), Ws, Wr)

    SP, SQ = _sc_gather(P, Q, senders, receivers)

    a = bi_edges_indx[:, 0]
    bcol = bi_edges_indx[:, 1]
    pair_ids = jnp.arange(8, _EH + 8, dtype=jnp.int32)
    zi = jnp.zeros((_E,), jnp.int32)
    zf = jnp.zeros((_E,), jnp.float32)
    win, G = _sc_coeff(a, bcol, w, pair_ids, zi, zf)

    c2d, sw = pl.pallas_call(
        _cw_body,
        out_shape=[
            jax.ShapeDtypeStruct((_ER, 128), jnp.float32),
            jax.ShapeDtypeStruct((1, 1), jnp.float32),
        ],
    )(win.reshape(_ER, 128), G.reshape(_ER, 128), w.reshape(_ER, 128))

    S0 = pl.pallas_call(
        _edge_body,
        grid=(_E // _BE2,),
        in_specs=[
            pl.BlockSpec((_BE2, 1), lambda i: (i, 0)),
            pl.BlockSpec((_BE2, _H), lambda i: (i, 0)),
            pl.BlockSpec((_BE2, _H), lambda i: (i, 0)),
            pl.BlockSpec((1, 1, _BE2), lambda i: (i, 0, 0)),
            pl.BlockSpec((1, 1), lambda i: (0, 0)),
            pl.BlockSpec((1, _H), lambda i: (0, 0)),
            pl.BlockSpec((1, _H), lambda i: (0, 0)),
            pl.BlockSpec((_H, _H), lambda i: (0, 0)),
            pl.BlockSpec((1, _H), lambda i: (0, 0)),
        ],
        out_specs=pl.BlockSpec((1, _H), lambda i: (0, 0)),
        out_shape=jax.ShapeDtypeStruct((1, _H), jnp.float32),
    )(edges, SP, SQ, c2d.reshape(_E // _BE2, 1, _BE2), norm2,
      edge_enc_W, edge_enc_b.reshape(1, _H), We3, mp_edge_b.reshape(1, _H))

    alpha = (S0 @ edge_dec_W)[0] + edge_dec_b * sw[0, 0] + b

    diag_data = jnp.broadcast_to(alpha, (_N,))
    data = jnp.concatenate([tri_data, diag_data], axis=0)
    ar = jnp.arange(_N, dtype=jnp.int32)
    indices = jnp.concatenate(
        [jnp.stack([senders, receivers], axis=1), jnp.stack([ar, ar], axis=1)],
        axis=0)
    return data, indices

# --- scband reference (transcript-rebuilt; emitter-appended) ---
"""Pipeline reference for scband-shift-net-77438260346964 (READ-ONLY COPY).

The authoritative reference and input builder live on the scoring server;
editing this copy changes nothing except your own understanding.
"""

import jax, jax.numpy as jnp
import numpy as np
from jax.ops import segment_sum

N = 50000
E = 800000
H = 16

def _encode(x, W, b):
    return jnp.tanh(x @ W + b)

def _message_pass(nodes, edges, receivers, senders, We, be, Wn, bn):
    sn = nodes[:, senders, :]
    rn = nodes[:, receivers, :]
    edges = jnp.tanh(jnp.concatenate([sn, rn, edges], axis=-1) @ We + be)
    agg = segment_sum(edges[0], receivers, num_segments=nodes.shape[1])[None, ...]
    nodes = jnp.tanh(jnp.concatenate([nodes, agg], axis=-1) @ Wn + bn)
    return nodes, edges, receivers, senders

def _bi_direc_edge_avg(edges, indx):
    avg = 0.5 * (edges[:, indx[:, 0], :] + edges[:, indx[:, 1], :])
    edges = edges.at[:, indx[:, 0], :].set(avg)
    edges = edges.at[:, indx[:, 1], :].set(avg)
    return edges

def setup_inputs(seed: int = 0):
    key = jax.random.key(seed)
    ks = jax.random.split(key, 20)
    inp = {}
    inp['nodes'] = jax.random.normal(ks[0], (N, 1), dtype=jnp.float32)
    inp['edges'] = jax.random.normal(ks[1], (E, 1), dtype=jnp.float32)
    inp['receivers'] = jax.random.randint(ks[2], (E,), 0, N, dtype=jnp.int32)
    inp['senders'] = jax.random.randint(ks[3], (E,), 0, N, dtype=jnp.int32)
    inp['bi_edges_indx'] = jax.random.randint(ks[4], (E // 2, 2), 0, E, dtype=jnp.int32)
    inp['lhs_nodes'] = jax.random.normal(ks[5], (N, 1), dtype=jnp.float32)
    inp['lhs_edges'] = jax.random.normal(ks[6], (E, 1), dtype=jnp.float32)
    inp['lhs_receivers'] = jax.random.randint(ks[7], (E,), 0, N, dtype=jnp.int32)
    inp['lhs_senders'] = jax.random.randint(ks[8], (E,), 0, N, dtype=jnp.int32)
    s = 0.5
    inp['node_enc_W'] = s * jax.random.normal(ks[9], (1, H), dtype=jnp.float32)
    inp['node_enc_b'] = jnp.zeros((H,), dtype=jnp.float32)
    inp['edge_enc_W'] = s * jax.random.normal(ks[10], (1, H), dtype=jnp.float32)
    inp['edge_enc_b'] = jnp.zeros((H,), dtype=jnp.float32)
    inp['mp_edge_W'] = (s / np.sqrt(3 * H)) * jax.random.normal(ks[11], (3 * H, H), dtype=jnp.float32)
    inp['mp_edge_b'] = jnp.zeros((H,), dtype=jnp.float32)
    inp['mp_node_W'] = (s / np.sqrt(2 * H)) * jax.random.normal(ks[12], (2 * H, H), dtype=jnp.float32)
    inp['mp_node_b'] = jnp.zeros((H,), dtype=jnp.float32)
    inp['edge_dec_W'] = (s / np.sqrt(H)) * jax.random.normal(ks[13], (H, 1), dtype=jnp.float32)
    inp['edge_dec_b'] = jnp.zeros((1,), dtype=jnp.float32)
    inp['w'] = (0.01 / np.sqrt(E)) * jax.random.normal(ks[14], (E,), dtype=jnp.float32)
    inp['b'] = jnp.float32(0.05)
    return inp

def reference(nodes, edges, receivers, senders, bi_edges_indx, lhs_nodes, lhs_edges, lhs_receivers, lhs_senders, node_enc_W, node_enc_b, edge_enc_W, edge_enc_b, mp_edge_W, mp_edge_b, mp_node_W, mp_node_b, edge_dec_W, edge_dec_b, w, b):
    edges_init = edges
    norm = jnp.abs(edges_init).max()
    e = edges_init / norm
    d_lhs = jnp.diff(jnp.hstack([lhs_senders[:, None], lhs_receivers[:, None]]))
    diag_edge_indx_lhs = jnp.argwhere(d_lhs == 0, size=lhs_nodes.shape[0], fill_value=-1)[:, 0].astype(jnp.int32)
    diag_edge = lhs_edges.at[diag_edge_indx_lhs].get(mode='drop', fill_value=0)
    d_tr = jnp.diff(jnp.hstack([senders[:, None], receivers[:, None]]))
    diag_edge_indx = jnp.argwhere(d_tr == 0, size=nodes.shape[0], fill_value=-1)[:, 0].astype(jnp.int32)
    n = _encode(nodes[None, ...], node_enc_W, node_enc_b)
    ef = _encode(e[None, ...], edge_enc_W, edge_enc_b)
    n, ef, receivers, senders = _message_pass(n, ef, receivers, senders, mp_edge_W, mp_edge_b, mp_node_W, mp_node_b)
    ef = _bi_direc_edge_avg(ef, bi_edges_indx)
    ef = (ef @ edge_dec_W + edge_dec_b)[0, ...]
    alpha = w @ ef + b
    tri_data = jnp.where(senders >= receivers, jnp.squeeze(edges_init), 0.0)
    diag_data = alpha * jnp.ones((lhs_nodes.shape[0],), dtype=jnp.float32)
    data = jnp.concatenate([tri_data, diag_data], axis=0)
    ar = jnp.arange(lhs_nodes.shape[0], dtype=jnp.int32)
    indices = jnp.concatenate([jnp.stack([senders, receivers], axis=1), jnp.stack([ar, ar], axis=1)], axis=0)
    return data, indices

if __name__ == "__main__":
    import jax
    _d = setup_inputs()
    print(jax.jit(kernel)(*tuple(_d.values())))

</pallas_src>

<mosaic_0001>
#map = affine_map<(d0, d1) -> (0, 0)>
#map1 = affine_map<(d0, d1) -> (0)>
module attributes {stable_mosaic.version = 14 : i64} {
  func.func @_gather_body(%arg0: i32, %arg1: i32, %arg2: memref<50000x16xf32, #tpu.memory_space<hbm>>, %arg3: memref<50000x16xf32, #tpu.memory_space<hbm>>, %arg4: memref<800000xi32, #tpu.memory_space<hbm>>, %arg5: memref<800000xi32, #tpu.memory_space<hbm>>, %arg6: memref<800000x16xf32, #tpu.memory_space<hbm>>, %arg7: memref<800000x16xf32, #tpu.memory_space<hbm>>, %arg8: memref<1000xi32, #tpu.memory_space<vmem>>, %arg9: memref<1000xi32, #tpu.memory_space<vmem>>, %arg10: memref<1000x16xf32, #tpu.memory_space<vmem>>, %arg11: memref<1000x16xf32, #tpu.memory_space<vmem>>, %arg12: memref<!tpu.dma_semaphore, #tpu.memory_space<semaphore_mem>>, %arg13: memref<!tpu.dma_semaphore, #tpu.memory_space<semaphore_mem>>) attributes {dimension_semantics = [#tpu.dimension_semantics<core_parallel>, #tpu.dimension_semantics<subcore_parallel>], iteration_bounds = array<i64: 2, 16>, scalar_prefetch = 0 : i64, scratch_operands = 6 : i64, tpu.core_type = #tpu.core_type<sc_vector_subcore>, window_params = [{transform_indices = #map}, {transform_indices = #map}, {transform_indices = #map1}, {transform_indices = #map1}, {transform_indices = #map}, {transform_indices = #map}]} {
    %mul3A = arith.constant 2 : i32
    %mul3A_0 = arith.muli %arg1, %mul3A : i32
    %add3A = arith.addi %mul3A_0, %arg0 : i32
    %mul3A_1 = arith.constant 25000 : i32
    %mul3A_2 = arith.muli %add3A, %mul3A_1 : i32
    %scan3A = arith.constant 0 : i32
    %scan3A_3 = arith.constant 0 : i32
    %scan3A_4 = arith.constant 25 : i32
    %scan3A_5 = arith.addi %scan3A_3, %scan3A_4 : i32
    %scan3A_6 = arith.constant 1 : i32
    scf.for %scan3A_8 = %scan3A_3 to %scan3A_5 step %scan3A_6  : i32 {
      %mul3A_9 = arith.constant 1000 : i32
      %mul3A_10 = arith.muli %scan3A_8, %mul3A_9 : i32
      %add3A_11 = arith.addi %mul3A_2, %mul3A_10 : i32
      %dma_start3A = tpu.memref_slice %arg4[%add3A_11] : memref<800000xi32, #tpu.memory_space<hbm>> -> memref<1000xi32, #tpu.memory_space<hbm>>
      %dma_start3A_12 = tpu.memref_slice %arg4[%add3A_11] : memref<800000xi32, #tpu.memory_space<hbm>> -> memref<1000xi32, #tpu.memory_space<hbm>>
      tpu.enqueue_dma source(%dma_start3A_12 : memref<1000xi32, #tpu.memory_space<hbm>>) target(%arg8 : memref<1000xi32, #tpu.memory_space<vmem>>) target_semaphore(%arg12 : memref<!tpu.dma_semaphore, #tpu.memory_space<semaphore_mem>>)
      %dma_start3A_13 = tpu.memref_slice %arg5[%add3A_11] : memref<800000xi32, #tpu.memory_space<hbm>> -> memref<1000xi32, #tpu.memory_space<hbm>>
      %dma_start3A_14 = tpu.memref_slice %arg5[%add3A_11] : memref<800000xi32, #tpu.memory_space<hbm>> -> memref<1000xi32, #tpu.memory_space<hbm>>
      tpu.enqueue_dma source(%dma_start3A_14 : memref<1000xi32, #tpu.memory_space<hbm>>) target(%arg9 : memref<1000xi32, #tpu.memory_space<vmem>>) target_semaphore(%arg13 : memref<!tpu.dma_semaphore, #tpu.memory_space<semaphore_mem>>)
      %dma_wait3A = tpu.memref_slice %arg4[%add3A_11] : memref<800000xi32, #tpu.memory_space<hbm>> -> memref<1000xi32, #tpu.memory_space<hbm>>
      %dma_wait3A_15 = tpu.memref_slice %arg4[%add3A_11] : memref<800000xi32, #tpu.memory_space<hbm>> -> memref<1000xi32, #tpu.memory_space<hbm>>
      tpu.wait_dma2 semaphore(%arg12 : memref<!tpu.dma_semaphore, #tpu.memory_space<semaphore_mem>>) src(%dma_wait3A_15 : memref<1000xi32, #tpu.memory_space<hbm>>) dst(%arg8 : memref<1000xi32, #tpu.memory_space<vmem>>)
      %dma_wait3A_16 = tpu.memref_slice %arg5[%add3A_11] : memref<800000xi32, #tpu.memory_space<hbm>> -> memref<1000xi32, #tpu.memory_space<hbm>>
      %dma_wait3A_17 = tpu.memref_slice %arg5[%add3A_11] : memref<800000xi32, #tpu.memory_space<hbm>> -> memref<1000xi32, #tpu.memory_space<hbm>>
      tpu.wait_dma2 semaphore(%arg13 : memref<!tpu.dma_semaphore, #tpu.memory_space<semaphore_mem>>) src(%dma_wait3A_17 : memref<1000xi32, #tpu.memory_space<hbm>>) dst(%arg9 : memref<1000xi32, #tpu.memory_space<vmem>>)
      %dma_start3A_18 = arith.constant 0 : i32
      %dma_start3A_19 = arith.constant 0 : i32
      %dma_start3A_20 = tpu.memref_slice %arg2[%dma_start3A_18, %dma_start3A_19] : memref<50000x16xf32, #tpu.memory_space<hbm>> -> memref<50000x16xf32, #tpu.memory_space<hbm>>
      tpu.enqueue_indirect_dma source(%dma_start3A_20 : memref<50000x16xf32, #tpu.memory_space<hbm>>) target(%arg10 : memref<1000x16xf32, #tpu.memory_space<vmem>>) offsets(%arg8 : memref<1000xi32, #tpu.memory_space<vmem>>) semaphore(%arg12 : memref<!tpu.dma_semaphore, #tpu.memory_space<semaphore_mem>>)
      %dma_start3A_21 = arith.constant 0 : i32
      %dma_start3A_22 = arith.constant 0 : i32
      %dma_start3A_23 = tpu.memref_slice %arg3[%dma_start3A_21, %dma_start3A_22] : memref<50000x16xf32, #tpu.memory_space<hbm>> -> memref<50000x16xf32, #tpu.memory_space<hbm>>
      tpu.enqueue_indirect_dma source(%dma_start3A_23 : memref<50000x16xf32, #tpu.memory_space<hbm>>) target(%arg11 : memref<1000x16xf32, #tpu.memory_space<vmem>>) offsets(%arg9 : memref<1000xi32, #tpu.memory_space<vmem>>) semaphore(%arg13 : memref<!tpu.dma_semaphore, #tpu.memory_space<semaphore_mem>>)
      %dma_wait3A_24 = arith.constant 0 : i32
      %dma_wait3A_25 = arith.constant 0 : i32
      %dma_wait3A_26 = tpu.memref_slice %arg2[%dma_wait3A_24, %dma_wait3A_25] : memref<50000x16xf32, #tpu.memory_space<hbm>> -> memref<50000x16xf32, #tpu.memory_space<hbm>>
      tpu.wait_indirect_dma semaphore(%arg12 : memref<!tpu.dma_semaphore, #tpu.memory_space<semaphore_mem>>) src(%dma_wait3A_26 : memref<50000x16xf32, #tpu.memory_space<hbm>>) dst(%arg10 : memref<1000x16xf32, #tpu.memory_space<vmem>>)
      %dma_wait3A_27 = arith.constant 0 : i32
      %dma_wait3A_28 = arith.constant 0 : i32
      %dma_wait3A_29 = tpu.memref_slice %arg3[%dma_wait3A_27, %dma_wait3A_28] : memref<50000x16xf32, #tpu.memory_space<hbm>> -> memref<50000x16xf32, #tpu.memory_space<hbm>>
      tpu.wait_indirect_dma semaphore(%arg13 : memref<!tpu.dma_semaphore, #tpu.memory_space<semaphore_mem>>) src(%dma_wait3A_29 : memref<50000x16xf32, #tpu.memory_space<hbm>>) dst(%arg11 : memref<1000x16xf32, #tpu.memory_space<vmem>>)
      %dma_start3A_30 = arith.constant 0 : i32
      %dma_start3A_31 = tpu.memref_slice %arg6[%add3A_11, %dma_start3A_30] : memref<800000x16xf32, #tpu.memory_space<hbm>> -> memref<1000x16xf32, #tpu.memory_space<hbm>>
      %dma_start3A_32 = arith.constant 0 : i32
      %dma_start3A_33 = tpu.memref_slice %arg6[%add3A_11, %dma_start3A_32] : memref<800000x16xf32, #tpu.memory_space<hbm>> -> memref<1000x16xf32, #tpu.memory_space<hbm>>
      tpu.enqueue_dma source(%arg10 : memref<1000x16xf32, #tpu.memory_space<vmem>>) target(%dma_start3A_33 : memref<1000x16xf32, #tpu.memory_space<hbm>>) target_semaphore(%arg12 : memref<!tpu.dma_semaphore, #tpu.memory_space<semaphore_mem>>)
      %dma_start3A_34 = arith.constant 0 : i32
      %dma_start3A_35 = tpu.memref_slice %arg7[%add3A_11, %dma_start3A_34] : memref<800000x16xf32, #tpu.memory_space<hbm>> -> memref<1000x16xf32, #tpu.memory_space<hbm>>
      %dma_start3A_36 = arith.constant 0 : i32
      %dma_start3A_37 = tpu.memref_slice %arg7[%add3A_11, %dma_start3A_36] : memref<800000x16xf32, #tpu.memory_space<hbm>> -> memref<1000x16xf32, #tpu.memory_space<hbm>>
      tpu.enqueue_dma source(%arg11 : memref<1000x16xf32, #tpu.memory_space<vmem>>) target(%dma_start3A_37 : memref<1000x16xf32, #tpu.memory_space<hbm>>) target_semaphore(%arg13 : memref<!tpu.dma_semaphore, #tpu.memory_space<semaphore_mem>>)
      %dma_wait3A_38 = arith.constant 0 : i32
      %dma_wait3A_39 = tpu.memref_slice %arg6[%add3A_11, %dma_wait3A_38] : memref<800000x16xf32, #tpu.memory_space<hbm>> -> memref<1000x16xf32, #tpu.memory_space<hbm>>
      %dma_wait3A_40 = arith.constant 0 : i32
      %dma_wait3A_41 = tpu.memref_slice %arg6[%add3A_11, %dma_wait3A_40] : memref<800000x16xf32, #tpu.memory_space<hbm>> -> memref<1000x16xf32, #tpu.memory_space<hbm>>
      tpu.wait_dma2 semaphore(%arg12 : memref<!tpu.dma_semaphore, #tpu.memory_space<semaphore_mem>>) src(%arg10 : memref<1000x16xf32, #tpu.memory_space<vmem>>) dst(%dma_wait3A_41 : memref<1000x16xf32, #tpu.memory_space<hbm>>)
      %dma_wait3A_42 = arith.constant 0 : i32
      %dma_wait3A_43 = tpu.memref_slice %arg7[%add3A_11, %dma_wait3A_42] : memref<800000x16xf32, #tpu.memory_space<hbm>> -> memref<1000x16xf32, #tpu.memory_space<hbm>>
      %dma_wait3A_44 = arith.constant 0 : i32
      %dma_wait3A_45 = tpu.memref_slice %arg7[%add3A_11, %dma_wait3A_44] : memref<800000x16xf32, #tpu.memory_space<hbm>> -> memref<1000x16xf32, #tpu.memory_space<hbm>>
      tpu.wait_dma2 semaphore(%arg13 : memref<!tpu.dma_semaphore, #tpu.memory_space<semaphore_mem>>) src(%arg11 : memref<1000x16xf32, #tpu.memory_space<vmem>>) dst(%dma_wait3A_45 : memref<1000x16xf32, #tpu.memory_space<hbm>>)
    }
    %scan3A_7 = arith.constant 25 : i32
    return
  }
}

#map = affine_map<(d0, d1) -> (0)>
module attributes {stable_mosaic.version = 14 : i64} {
  func.func @_coeff_body(%arg0: i32, %arg1: i32, %arg2: memref<400000xi32, #tpu.memory_space<hbm>>, %arg3: memref<400000xi32, #tpu.memory_space<hbm>>, %arg4: memref<800000xf32, #tpu.memory_space<hbm>>, %arg5: memref<400000xi32, #tpu.memory_space<hbm>>, %arg6: memref<800000xi32, #tpu.memory_space<hbm>>, %arg7: memref<800000xf32, #tpu.memory_space<hbm>>, %arg8: memref<800000xi32, #tpu.memory_space<hbm>>, %arg9: memref<800000xf32, #tpu.memory_space<hbm>>, %arg10: memref<800000xi32, #tpu.memory_space<vmem_shared>>, %arg11: memref<800000xf32, #tpu.memory_space<vmem_shared>>, %arg12: memref<400008xf32, #tpu.memory_space<vmem_shared>>, %arg13: memref<2000xi32, #tpu.memory_space<vmem>>, %arg14: memref<2000xi32, #tpu.memory_space<vmem>>, %arg15: memref<2000xf32, #tpu.memory_space<vmem>>, %arg16: memref<!tpu.dma_semaphore, #tpu.memory_space<semaphore_mem>>, %arg17: memref<!tpu.dma_semaphore, #tpu.memory_space<semaphore_mem>>, %arg18: memref<!tpu.dma_semaphore, #tpu.memory_space<semaphore_mem>>, %arg19: memref<!tpu.dma_semaphore, #tpu.memory_space<semaphore_mem>>, %arg20: memref<!tpu.dma_semaphore, #tpu.memory_space<semaphore_mem>>) attributes {dimension_semantics = [#tpu.dimension_semantics<core_parallel>, #tpu.dimension_semantics<subcore_parallel>], iteration_bounds = array<i64: 1, 16>, scalar_prefetch = 0 : i64, scratch_operands = 11 : i64, tpu.core_type = #tpu.core_type<sc_vector_subcore>, window_params = [{transform_indices = #map}, {transform_indices = #map}, {transform_indices = #map}, {transform_indices = #map}, {transform_indices = #map}, {transform_indices = #map}, {transform_indices = #map}, {transform_indices = #map}]} {
    %mul3A = arith.constant 25000 : i32
    %mul3A_0 = arith.muli %arg1, %mul3A : i32
    %mul3A_1 = arith.constant 50000 : i32
    %mul3A_2 = arith.muli %arg1, %mul3A_1 : i32
    %dma_start3A = tpu.memref_slice %arg10[%mul3A_2] : memref<800000xi32, #tpu.memory_space<vmem_shared>> -> memref<50000xi32, #tpu.memory_space<vmem_shared>>
    %dma_start3A_3 = tpu.memref_slice %arg6[%mul3A_2] : memref<800000xi32, #tpu.memory_space<hbm>> -> memref<50000xi32, #tpu.memory_space<hbm>>
    tpu.enqueue_dma source(%dma_start3A_3 : memref<50000xi32, #tpu.memory_space<hbm>>) target(%dma_start3A : memref<50000xi32, #tpu.memory_space<vmem_shared>>) target_semaphore(%arg16 : memref<!tpu.dma_semaphore, #tpu.memory_space<semaphore_mem>>)
    %dma_start3A_4 = tpu.memref_slice %arg11[%mul3A_2] : memref<800000xf32, #tpu.memory_space<vmem_shared>> -> memref<50000xf32, #tpu.memory_space<vmem_shared>>
    %dma_start3A_5 = tpu.memref_slice %arg7[%mul3A_2] : memref<800000xf32, #tpu.memory_space<hbm>> -> memref<50000xf32, #tpu.memory_space<hbm>>
    tpu.enqueue_dma source(%dma_start3A_5 : memref<50000xf32, #tpu.memory_space<hbm>>) target(%dma_start3A_4 : memref<50000xf32, #tpu.memory_space<vmem_shared>>) target_semaphore(%arg19 : memref<!tpu.dma_semaphore, #tpu.memory_space<semaphore_mem>>)
    %dma_start3A_6 = tpu.memref_slice %arg12[%mul3A_0] : memref<400008xf32, #tpu.memory_space<vmem_shared>> -> memref<25000xf32, #tpu.memory_space<vmem_shared>>
    %dma_start3A_7 = tpu.memref_slice %arg7[%mul3A_0] : memref<800000xf32, #tpu.memory_space<hbm>> -> memref<25000xf32, #tpu.memory_space<hbm>>
    tpu.enqueue_dma source(%dma_start3A_7 : memref<25000xf32, #tpu.memory_space<hbm>>) target(%dma_start3A_6 : memref<25000xf32, #tpu.memory_space<vmem_shared>>) target_semaphore(%arg20 : memref<!tpu.dma_semaphore, #tpu.memory_space<semaphore_mem>>)
    %dma_wait3A = tpu.memref_slice %arg10[%mul3A_2] : memref<800000xi32, #tpu.memory_space<vmem_shared>> -> memref<50000xi32, #tpu.memory_space<vmem_shared>>
    %dma_wait3A_8 = tpu.memref_slice %arg6[%mul3A_2] : memref<800000xi32, #tpu.memory_space<hbm>> -> memref<50000xi32, #tpu.memory_space<hbm>>
    tpu.wait_dma2 semaphore(%arg16 : memref<!tpu.dma_semaphore, #tpu.memory_space<semaphore_mem>>) src(%dma_wait3A_8 : memref<50000xi32, #tpu.memory_space<hbm>>) dst(%dma_wait3A : memref<50000xi32, #tpu.memory_space<vmem_shared>>)
    %eq3A = arith.constant 0 : i32
    %eq3A_9 = arith.cmpi eq, %arg1, %eq3A : i32
    %convert_element_type3A = arith.extui %eq3A_9 : i1 to i32
    %cond3A = arith.constant 0 : i32
    %cond3A_10 = arith.cmpi ne, %convert_element_type3A, %cond3A : i32
    scf.if %cond3A_10 {
      "tpu.region"() ({
        %run_scoped3A = tpu.sem_alloc : memref<!tpu.dma_semaphore, #tpu.memory_space<semaphore_mem>>
        %dma_start3A_50 = arith.constant 400000 : i32
        %dma_start3A_51 = tpu.memref_slice %arg12[%dma_start3A_50] : memref<400008xf32, #tpu.memory_space<vmem_shared>> -> memref<8xf32, #tpu.memory_space<vmem_shared>>
        %dma_start3A_52 = arith.constant 400000 : i32
        %dma_start3A_53 = tpu.memref_slice %arg7[%dma_start3A_52] : memref<800000xf32, #tpu.memory_space<hbm>> -> memref<8xf32, #tpu.memory_space<hbm>>
        tpu.enqueue_dma source(%dma_start3A_53 : memref<8xf32, #tpu.memory_space<hbm>>) target(%dma_start3A_51 : memref<8xf32, #tpu.memory_space<vmem_shared>>) target_semaphore(%run_scoped3A : memref<!tpu.dma_semaphore, #tpu.memory_space<semaphore_mem>>)
        %dma_wait3A_54 = arith.constant 400000 : i32
        %dma_wait3A_55 = tpu.memref_slice %arg12[%dma_wait3A_54] : memref<400008xf32, #tpu.memory_space<vmem_shared>> -> memref<8xf32, #tpu.memory_space<vmem_shared>>
        %dma_wait3A_56 = arith.constant 400000 : i32
        %dma_wait3A_57 = tpu.memref_slice %arg7[%dma_wait3A_56] : memref<800000xf32, #tpu.memory_space<hbm>> -> memref<8xf32, #tpu.memory_space<hbm>>
        tpu.wait_dma2 semaphore(%run_scoped3A : memref<!tpu.dma_semaphore, #tpu.memory_space<semaphore_mem>>) src(%dma_wait3A_57 : memref<8xf32, #tpu.memory_space<hbm>>) dst(%dma_wait3A_55 : memref<8xf32, #tpu.memory_space<vmem_shared>>)
        tpu.yield
      }) : () -> ()
    } else {
    }
    %barrier3A = arith.constant 0 : index
    tpu.barrier barrier_id(%barrier3A)
    %scan3A = arith.constant 0 : i32
    %scan3A_11 = arith.constant 0 : i32
    %scan3A_12 = arith.constant 25 : i32
    %scan3A_13 = arith.addi %scan3A_11, %scan3A_12 : i32
    %scan3A_14 = arith.constant 1 : i32
    scf.for %scan3A_50 = %scan3A_11 to %scan3A_13 step %scan3A_14  : i32 {
      %mul3A_51 = arith.constant 1000 : i32
      %mul3A_52 = arith.muli %scan3A_50, %mul3A_51 : i32
      %add3A = arith.addi %mul3A_0, %mul3A_52 : i32
      %dma_start3A_53 = arith.constant 0 : i32
      %dma_start3A_54 = tpu.memref_slice %arg13[%dma_start3A_53] : memref<2000xi32, #tpu.memory_space<vmem>> -> memref<1000xi32, #tpu.memory_space<vmem>>
      %dma_start3A_55 = tpu.memref_slice %arg2[%add3A] : memref<400000xi32, #tpu.memory_space<hbm>> -> memref<1000xi32, #tpu.memory_space<hbm>>
      %dma_start3A_56 = arith.constant 0 : i32
      %dma_start3A_57 = tpu.memref_slice %arg13[%dma_start3A_56] : memref<2000xi32, #tpu.memory_space<vmem>> -> memref<1000xi32, #tpu.memory_space<vmem>>
      %dma_start3A_58 = tpu.memref_slice %arg2[%add3A] : memref<400000xi32, #tpu.memory_space<hbm>> -> memref<1000xi32, #tpu.memory_space<hbm>>
      tpu.enqueue_dma source(%dma_start3A_58 : memref<1000xi32, #tpu.memory_space<hbm>>) target(%dma_start3A_57 : memref<1000xi32, #tpu.memory_space<vmem>>) target_semaphore(%arg16 : memref<!tpu.dma_semaphore, #tpu.memory_space<semaphore_mem>>)
      %dma_start3A_59 = arith.constant 0 : i32
      %dma_start3A_60 = tpu.memref_slice %arg14[%dma_start3A_59] : memref<2000xi32, #tpu.memory_space<vmem>> -> memref<1000xi32, #tpu.memory_space<vmem>>
      %dma_start3A_61 = tpu.memref_slice %arg5[%add3A] : memref<400000xi32, #tpu.memory_space<hbm>> -> memref<1000xi32, #tpu.memory_space<hbm>>
      %dma_start3A_62 = arith.constant 0 : i32
      %dma_start3A_63 = tpu.memref_slice %arg14[%dma_start3A_62] : memref<2000xi32, #tpu.memory_space<vmem>> -> memref<1000xi32, #tpu.memory_space<vmem>>
      %dma_start3A_64 = tpu.memref_slice %arg5[%add3A] : memref<400000xi32, #tpu.memory_space<hbm>> -> memref<1000xi32, #tpu.memory_space<hbm>>
      tpu.enqueue_dma source(%dma_start3A_64 : memref<1000xi32, #tpu.memory_space<hbm>>) target(%dma_start3A_63 : memref<1000xi32, #tpu.memory_space<vmem>>) target_semaphore(%arg17 : memref<!tpu.dma_semaphore, #tpu.memory_space<semaphore_mem>>)
      %dma_wait3A_65 = arith.constant 0 : i32
      %dma_wait3A_66 = tpu.memref_slice %arg13[%dma_wait3A_65] : memref<2000xi32, #tpu.memory_space<vmem>> -> memref<1000xi32, #tpu.memory_space<vmem>>
      %dma_wait3A_67 = tpu.memref_slice %arg2[%add3A] : memref<400000xi32, #tpu.memory_space<hbm>> -> memref<1000xi32, #tpu.memory_space<hbm>>
      %dma_wait3A_68 = arith.constant 0 : i32
      %dma_wait3A_69 = tpu.memref_slice %arg13[%dma_wait3A_68] : memref<2000xi32, #tpu.memory_space<vmem>> -> memref<1000xi32, #tpu.memory_space<vmem>>
      %dma_wait3A_70 = tpu.memref_slice %arg2[%add3A] : memref<400000xi32, #tpu.memory_space<hbm>> -> memref<1000xi32, #tpu.memory_space<hbm>>
      tpu.wait_dma2 semaphore(%arg16 : memref<!tpu.dma_semaphore, #tpu.memory_space<semaphore_mem>>) src(%dma_wait3A_70 : memref<1000xi32, #tpu.memory_space<hbm>>) dst(%dma_wait3A_69 : memref<1000xi32, #tpu.memory_space<vmem>>)
      %dma_wait3A_71 = arith.constant 0 : i32
      %dma_wait3A_72 = tpu.memref_slice %arg14[%dma_wait3A_71] : memref<2000xi32, #tpu.memory_space<vmem>> -> memref<1000xi32, #tpu.memory_space<vmem>>
      %dma_wait3A_73 = tpu.memref_slice %arg5[%add3A] : memref<400000xi32, #tpu.memory_space<hbm>> -> memref<1000xi32, #tpu.memory_space<hbm>>
      %dma_wait3A_74 = arith.constant 0 : i32
      %dma_wait3A_75 = tpu.memref_slice %arg14[%dma_wait3A_74] : memref<2000xi32, #tpu.memory_space<vmem>> -> memref<1000xi32, #tpu.memory_space<vmem>>
      %dma_wait3A_76 = tpu.memref_slice %arg5[%add3A] : memref<400000xi32, #tpu.memory_space<hbm>> -> memref<1000xi32, #tpu.memory_space<hbm>>
      tpu.wait_dma2 semaphore(%arg17 : memref<!tpu.dma_semaphore, #tpu.memory_space<semaphore_mem>>) src(%dma_wait3A_76 : memref<1000xi32, #tpu.memory_space<hbm>>) dst(%dma_wait3A_75 : memref<1000xi32, #tpu.memory_space<vmem>>)
      "tpu.region"() ({
        %run_scoped3A = tpu.sem_alloc : memref<!tpu.dma_semaphore, #tpu.memory_space<semaphore_mem>>
        %dma_start3A_77 = arith.constant 0 : i32
        %dma_start3A_78 = tpu.memref_slice %arg14[%dma_start3A_77] : memref<2000xi32, #tpu.memory_space<vmem>> -> memref<1000xi32, #tpu.memory_space<vmem>>
        %dma_start3A_79 = arith.constant 0 : i32
        %dma_start3A_80 = tpu.memref_slice %arg13[%dma_start3A_79] : memref<2000xi32, #tpu.memory_space<vmem>> -> memref<1000xi32, #tpu.memory_space<vmem>>
        %dma_start3A_81 = arith.constant 0 : i32
        %dma_start3A_82 = tpu.memref_slice %arg10[%dma_start3A_81] : memref<800000xi32, #tpu.memory_space<vmem_shared>> -> memref<800000xi32, #tpu.memory_space<vmem_shared>>
        tpu.enqueue_indirect_dma source(%dma_start3A_78 : memref<1000xi32, #tpu.memory_space<vmem>>) target(%dma_start3A_82 : memref<800000xi32, #tpu.memory_space<vmem_shared>>) offsets(%dma_start3A_80 : memref<1000xi32, #tpu.memory_space<vmem>>) semaphore(%run_scoped3A : memref<!tpu.dma_semaphore, #tpu.memory_space<semaphore_mem>>)
        %dma_wait3A_83 = arith.constant 0 : i32
        %dma_wait3A_84 = tpu.memref_slice %arg14[%dma_wait3A_83] : memref<2000xi32, #tpu.memory_space<vmem>> -> memref<1000xi32, #tpu.memory_space<vmem>>
        %dma_wait3A_85 = arith.constant 0 : i32
        %dma_wait3A_86 = tpu.memref_slice %arg13[%dma_wait3A_85] : memref<2000xi32, #tpu.memory_space<vmem>> -> memref<1000xi32, #tpu.memory_space<vmem>>
        %dma_wait3A_87 = arith.constant 0 : i32
        %dma_wait3A_88 = tpu.memref_slice %arg10[%dma_wait3A_87] : memref<800000xi32, #tpu.memory_space<vmem_shared>> -> memref<800000xi32, #tpu.memory_space<vmem_shared>>
        tpu.wait_indirect_dma semaphore(%run_scoped3A : memref<!tpu.dma_semaphore, #tpu.memory_space<semaphore_mem>>) src(%dma_wait3A_84 : memref<1000xi32, #tpu.memory_space<vmem>>) dst(%dma_wait3A_88 : memref<800000xi32, #tpu.memory_space<vmem_shared>>)
        tpu.yield
      }) : () -> ()
    }
    %scan3A_15 = arith.constant 25 : i32
    %barrier3A_16 = arith.constant 0 : index
    tpu.barrier barrier_id(%barrier3A_16)
    %scan3A_17 = arith.constant 0 : i32
    %scan3A_18 = arith.constant 0 : i32
    %scan3A_19 = arith.constant 25 : i32
    %scan3A_20 = arith.addi %scan3A_18, %scan3A_19 : i32
    %scan3A_21 = arith.constant 1 : i32
    scf.for %scan3A_50 = %scan3A_18 to %scan3A_20 step %scan3A_21  : i32 {
      %mul3A_51 = arith.constant 1000 : i32
      %mul3A_52 = arith.muli %scan3A_50, %mul3A_51 : i32
      %add3A = arith.addi %mul3A_0, %mul3A_52 : i32
      %dma_start3A_53 = arith.constant 0 : i32
      %dma_start3A_54 = tpu.memref_slice %arg13[%dma_start3A_53] : memref<2000xi32, #tpu.memory_space<vmem>> -> memref<1000xi32, #tpu.memory_space<vmem>>
      %dma_start3A_55 = tpu.memref_slice %arg3[%add3A] : memref<400000xi32, #tpu.memory_space<hbm>> -> memref<1000xi32, #tpu.memory_space<hbm>>
      %dma_start3A_56 = arith.constant 0 : i32
      %dma_start3A_57 = tpu.memref_slice %arg13[%dma_start3A_56] : memref<2000xi32, #tpu.memory_space<vmem>> -> memref<1000xi32, #tpu.memory_space<vmem>>
      %dma_start3A_58 = tpu.memref_slice %arg3[%add3A] : memref<400000xi32, #tpu.memory_space<hbm>> -> memref<1000xi32, #tpu.memory_space<hbm>>
      tpu.enqueue_dma source(%dma_start3A_58 : memref<1000xi32, #tpu.memory_space<hbm>>) target(%dma_start3A_57 : memref<1000xi32, #tpu.memory_space<vmem>>) target_semaphore(%arg16 : memref<!tpu.dma_semaphore, #tpu.memory_space<semaphore_mem>>)
      %dma_start3A_59 = arith.constant 0 : i32
      %dma_start3A_60 = tpu.memref_slice %arg14[%dma_start3A_59] : memref<2000xi32, #tpu.memory_space<vmem>> -> memref<1000xi32, #tpu.memory_space<vmem>>
      %dma_start3A_61 = tpu.memref_slice %arg5[%add3A] : memref<400000xi32, #tpu.memory_space<hbm>> -> memref<1000xi32, #tpu.memory_space<hbm>>
      %dma_start3A_62 = arith.constant 0 : i32
      %dma_start3A_63 = tpu.memref_slice %arg14[%dma_start3A_62] : memref<2000xi32, #tpu.memory_space<vmem>> -> memref<1000xi32, #tpu.memory_space<vmem>>
      %dma_start3A_64 = tpu.memref_slice %arg5[%add3A] : memref<400000xi32, #tpu.memory_space<hbm>> -> memref<1000xi32, #tpu.memory_space<hbm>>
      tpu.enqueue_dma source(%dma_start3A_64 : memref<1000xi32, #tpu.memory_space<hbm>>) target(%dma_start3A_63 : memref<1000xi32, #tpu.memory_space<vmem>>) target_semaphore(%arg17 : memref<!tpu.dma_semaphore, #tpu.memory_space<semaphore_mem>>)
      %dma_wait3A_65 = arith.constant 0 : i32
      %dma_wait3A_66 = tpu.memref_slice %arg13[%dma_wait3A_65] : memref<2000xi32, #tpu.memory_space<vmem>> -> memref<1000xi32, #tpu.memory_space<vmem>>
      %dma_wait3A_67 = tpu.memref_slice %arg3[%add3A] : memref<400000xi32, #tpu.memory_space<hbm>> -> memref<1000xi32, #tpu.memory_space<hbm>>
      %dma_wait3A_68 = arith.constant 0 : i32
      %dma_wait3A_69 = tpu.memref_slice %arg13[%dma_wait3A_68] : memref<2000xi32, #tpu.memory_space<vmem>> -> memref<1000xi32, #tpu.memory_space<vmem>>
      %dma_wait3A_70 = tpu.memref_slice %arg3[%add3A] : memref<400000xi32, #tpu.memory_space<hbm>> -> memref<1000xi32, #tpu.memory_space<hbm>>
      tpu.wait_dma2 semaphore(%arg16 : memref<!tpu.dma_semaphore, #tpu.memory_space<semaphore_mem>>) src(%dma_wait3A_70 : memref<1000xi32, #tpu.memory_space<hbm>>) dst(%dma_wait3A_69 : memref<1000xi32, #tpu.memory_space<vmem>>)
      %dma_wait3A_71 = arith.constant 0 : i32
      %dma_wait3A_72 = tpu.memref_slice %arg14[%dma_wait3A_71] : memref<2000xi32, #tpu.memory_space<vmem>> -> memref<1000xi32, #tpu.memory_space<vmem>>
      %dma_wait3A_73 = tpu.memref_slice %arg5[%add3A] : memref<400000xi32, #tpu.memory_space<hbm>> -> memref<1000xi32, #tpu.memory_space<hbm>>
      %dma_wait3A_74 = arith.constant 0 : i32
      %dma_wait3A_75 = tpu.memref_slice %arg14[%dma_wait3A_74] : memref<2000xi32, #tpu.memory_space<vmem>> -> memref<1000xi32, #tpu.memory_space<vmem>>
      %dma_wait3A_76 = tpu.memref_slice %arg5[%add3A] : memref<400000xi32, #tpu.memory_space<hbm>> -> memref<1000xi32, #tpu.memory_space<hbm>>
      tpu.wait_dma2 semaphore(%arg17 : memref<!tpu.dma_semaphore, #tpu.memory_space<semaphore_mem>>) src(%dma_wait3A_76 : memref<1000xi32, #tpu.memory_space<hbm>>) dst(%dma_wait3A_75 : memref<1000xi32, #tpu.memory_space<vmem>>)
      "tpu.region"() ({
        %run_scoped3A = tpu.sem_alloc : memref<!tpu.dma_semaphore, #tpu.memory_space<semaphore_mem>>
        %dma_start3A_77 = arith.constant 0 : i32
        %dma_start3A_78 = tpu.memref_slice %arg14[%dma_start3A_77] : memref<2000xi32, #tpu.memory_space<vmem>> -> memref<1000xi32, #tpu.memory_space<vmem>>
        %dma_start3A_79 = arith.constant 0 : i32
        %dma_start3A_80 = tpu.memref_slice %arg13[%dma_start3A_79] : memref<2000xi32, #tpu.memory_space<vmem>> -> memref<1000xi32, #tpu.memory_space<vmem>>
        %dma_start3A_81 = arith.constant 0 : i32
        %dma_start3A_82 = tpu.memref_slice %arg10[%dma_start3A_81] : memref<800000xi32, #tpu.memory_space<vmem_shared>> -> memref<800000xi32, #tpu.memory_space<vmem_shared>>
        tpu.enqueue_indirect_dma source(%dma_start3A_78 : memref<1000xi32, #tpu.memory_space<vmem>>) target(%dma_start3A_82 : memref<800000xi32, #tpu.memory_space<vmem_shared>>) offsets(%dma_start3A_80 : memref<1000xi32, #tpu.memory_space<vmem>>) semaphore(%run_scoped3A : memref<!tpu.dma_semaphore, #tpu.memory_space<semaphore_mem>>)
        %dma_wait3A_83 = arith.constant 0 : i32
        %dma_wait3A_84 = tpu.memref_slice %arg14[%dma_wait3A_83] : memref<2000xi32, #tpu.memory_space<vmem>> -> memref<1000xi32, #tpu.memory_space<vmem>>
        %dma_wait3A_85 = arith.constant 0 : i32
        %dma_wait3A_86 = tpu.memref_slice %arg13[%dma_wait3A_85] : memref<2000xi32, #tpu.memory_space<vmem>> -> memref<1000xi32, #tpu.memory_space<vmem>>
        %dma_wait3A_87 = arith.constant 0 : i32
        %dma_wait3A_88 = tpu.memref_slice %arg10[%dma_wait3A_87] : memref<800000xi32, #tpu.memory_space<vmem_shared>> -> memref<800000xi32, #tpu.memory_space<vmem_shared>>
        tpu.wait_indirect_dma semaphore(%run_scoped3A : memref<!tpu.dma_semaphore, #tpu.memory_space<semaphore_mem>>) src(%dma_wait3A_84 : memref<1000xi32, #tpu.memory_space<vmem>>) dst(%dma_wait3A_88 : memref<800000xi32, #tpu.memory_space<vmem_shared>>)
        tpu.yield
      }) : () -> ()
    }
    %scan3A_22 = arith.constant 25 : i32
    %dma_wait3A_23 = tpu.memref_slice %arg12[%mul3A_0] : memref<400008xf32, #tpu.memory_space<vmem_shared>> -> memref<25000xf32, #tpu.memory_space<vmem_shared>>
    %dma_wait3A_24 = tpu.memref_slice %arg7[%mul3A_0] : memref<800000xf32, #tpu.memory_space<hbm>> -> memref<25000xf32, #tpu.memory_space<hbm>>
    tpu.wait_dma2 semaphore(%arg20 : memref<!tpu.dma_semaphore, #tpu.memory_space<semaphore_mem>>) src(%dma_wait3A_24 : memref<25000xf32, #tpu.memory_space<hbm>>) dst(%dma_wait3A_23 : memref<25000xf32, #tpu.memory_space<vmem_shared>>)
    %barrier3A_25 = arith.constant 0 : index
    tpu.barrier barrier_id(%barrier3A_25)
    %scan3A_26 = arith.constant 0 : i32
    %scan3A_27 = arith.constant 0 : i32
    %scan3A_28 = arith.constant 25 : i32
    %scan3A_29 = arith.addi %scan3A_27, %scan3A_28 : i32
    %scan3A_30 = arith.constant 1 : i32
    scf.for %scan3A_50 = %scan3A_27 to %scan3A_29 step %scan3A_30  : i32 {
      %mul3A_51 = arith.constant 2000 : i32
      %mul3A_52 = arith.muli %scan3A_50, %mul3A_51 : i32
      %add3A = arith.addi %mul3A_2, %mul3A_52 : i32
      %dma_start3A_53 = tpu.memref_slice %arg10[%add3A] : memref<800000xi32, #tpu.memory_space<vmem_shared>> -> memref<2000xi32, #tpu.memory_space<vmem_shared>>
      %dma_start3A_54 = tpu.memref_slice %arg10[%add3A] : memref<800000xi32, #tpu.memory_space<vmem_shared>> -> memref<2000xi32, #tpu.memory_space<vmem_shared>>
      tpu.enqueue_dma source(%dma_start3A_54 : memref<2000xi32, #tpu.memory_space<vmem_shared>>) target(%arg13 : memref<2000xi32, #tpu.memory_space<vmem>>) target_semaphore(%arg16 : memref<!tpu.dma_semaphore, #tpu.memory_space<semaphore_mem>>)
      %dma_start3A_55 = tpu.memref_slice %arg4[%add3A] : memref<800000xf32, #tpu.memory_space<hbm>> -> memref<2000xf32, #tpu.memory_space<hbm>>
      %dma_start3A_56 = tpu.memref_slice %arg4[%add3A] : memref<800000xf32, #tpu.memory_space<hbm>> -> memref<2000xf32, #tpu.memory_space<hbm>>
      tpu.enqueue_dma source(%dma_start3A_56 : memref<2000xf32, #tpu.memory_space<hbm>>) target(%arg15 : memref<2000xf32, #tpu.memory_space<vmem>>) target_semaphore(%arg17 : memref<!tpu.dma_semaphore, #tpu.memory_space<semaphore_mem>>)
      %dma_wait3A_57 = tpu.memref_slice %arg10[%add3A] : memref<800000xi32, #tpu.memory_space<vmem_shared>> -> memref<2000xi32, #tpu.memory_space<vmem_shared>>
      %dma_wait3A_58 = tpu.memref_slice %arg10[%add3A] : memref<800000xi32, #tpu.memory_space<vmem_shared>> -> memref<2000xi32, #tpu.memory_space<vmem_shared>>
      tpu.wait_dma2 semaphore(%arg16 : memref<!tpu.dma_semaphore, #tpu.memory_space<semaphore_mem>>) src(%dma_wait3A_58 : memref<2000xi32, #tpu.memory_space<vmem_shared>>) dst(%arg13 : memref<2000xi32, #tpu.memory_space<vmem>>)
      %dma_wait3A_59 = tpu.memref_slice %arg4[%add3A] : memref<800000xf32, #tpu.memory_space<hbm>> -> memref<2000xf32, #tpu.memory_space<hbm>>
      %dma_wait3A_60 = tpu.memref_slice %arg4[%add3A] : memref<800000xf32, #tpu.memory_space<hbm>> -> memref<2000xf32, #tpu.memory_space<hbm>>
      tpu.wait_dma2 semaphore(%arg17 : memref<!tpu.dma_semaphore, #tpu.memory_space<semaphore_mem>>) src(%dma_wait3A_60 : memref<2000xf32, #tpu.memory_space<hbm>>) dst(%arg15 : memref<2000xf32, #tpu.memory_space<vmem>>)
      "tpu.region"() ({
        %run_scoped3A = tpu.sem_alloc : memref<!tpu.dma_semaphore, #tpu.memory_space<semaphore_mem>>
        %dma_start3A_61 = arith.constant 0 : i32
        %dma_start3A_62 = tpu.memref_slice %arg12[%dma_start3A_61] : memref<400008xf32, #tpu.memory_space<vmem_shared>> -> memref<400008xf32, #tpu.memory_space<vmem_shared>>
        tpu.enqueue_indirect_dma source(%arg15 : memref<2000xf32, #tpu.memory_space<vmem>>) target(%dma_start3A_62 : memref<400008xf32, #tpu.memory_space<vmem_shared>>) offsets(%arg13 : memref<2000xi32, #tpu.memory_space<vmem>>) semaphore(%run_scoped3A : memref<!tpu.dma_semaphore, #tpu.memory_space<semaphore_mem>>) {add = true}
        %dma_wait3A_63 = arith.constant 0 : i32
        %dma_wait3A_64 = tpu.memref_slice %arg12[%dma_wait3A_63] : memref<400008xf32, #tpu.memory_space<vmem_shared>> -> memref<400008xf32, #tpu.memory_space<vmem_shared>>
        tpu.wait_indirect_dma semaphore(%run_scoped3A : memref<!tpu.dma_semaphore, #tpu.memory_space<semaphore_mem>>) src(%arg15 : memref<2000xf32, #tpu.memory_space<vmem>>) dst(%dma_wait3A_64 : memref<400008xf32, #tpu.memory_space<vmem_shared>>)
        tpu.yield
      }) : () -> ()
    }
    %scan3A_31 = arith.constant 25 : i32
    %dma_wait3A_32 = tpu.memref_slice %arg11[%mul3A_2] : memref<800000xf32, #tpu.memory_space<vmem_shared>> -> memref<50000xf32, #tpu.memory_space<vmem_shared>>
    %dma_wait3A_33 = tpu.memref_slice %arg7[%mul3A_2] : memref<800000xf32, #tpu.memory_space<hbm>> -> memref<50000xf32, #tpu.memory_space<hbm>>
    tpu.wait_dma2 semaphore(%arg19 : memref<!tpu.dma_semaphore, #tpu.memory_space<semaphore_mem>>) src(%dma_wait3A_33 : memref<50000xf32, #tpu.memory_space<hbm>>) dst(%dma_wait3A_32 : memref<50000xf32, #tpu.memory_space<vmem_shared>>)
    %barrier3A_34 = arith.constant 0 : index
    tpu.barrier barrier_id(%barrier3A_34)
    %scan3A_35 = arith.constant 0 : i32
    %scan3A_36 = arith.constant 0 : i32
    %scan3A_37 = arith.constant 25 : i32
    %scan3A_38 = arith.addi %scan3A_36, %scan3A_37 : i32
    %scan3A_39 = arith.constant 1 : i32
    scf.for %scan3A_50 = %scan3A_36 to %scan3A_38 step %scan3A_39  : i32 {
      %mul3A_51 = arith.constant 1000 : i32
      %mul3A_52 = arith.muli %scan3A_50, %mul3A_51 : i32
      %add3A = arith.addi %mul3A_0, %mul3A_52 : i32
      %add3A_53 = arith.constant 8 : i32
      %add3A_54 = arith.addi %add3A, %add3A_53 : i32
      %dma_start3A_55 = arith.constant 0 : i32
      %dma_start3A_56 = tpu.memref_slice %arg15[%dma_start3A_55] : memref<2000xf32, #tpu.memory_space<vmem>> -> memref<1000xf32, #tpu.memory_space<vmem>>
      %dma_start3A_57 = tpu.memref_slice %arg12[%add3A_54] : memref<400008xf32, #tpu.memory_space<vmem_shared>> -> memref<1000xf32, #tpu.memory_space<vmem_shared>>
      %dma_start3A_58 = arith.constant 0 : i32
      %dma_start3A_59 = tpu.memref_slice %arg15[%dma_start3A_58] : memref<2000xf32, #tpu.memory_space<vmem>> -> memref<1000xf32, #tpu.memory_space<vmem>>
      %dma_start3A_60 = tpu.memref_slice %arg12[%add3A_54] : memref<400008xf32, #tpu.memory_space<vmem_shared>> -> memref<1000xf32, #tpu.memory_space<vmem_shared>>
      tpu.enqueue_dma source(%dma_start3A_60 : memref<1000xf32, #tpu.memory_space<vmem_shared>>) target(%dma_start3A_59 : memref<1000xf32, #tpu.memory_space<vmem>>) target_semaphore(%arg16 : memref<!tpu.dma_semaphore, #tpu.memory_space<semaphore_mem>>)
      %dma_start3A_61 = arith.constant 0 : i32
      %dma_start3A_62 = tpu.memref_slice %arg13[%dma_start3A_61] : memref<2000xi32, #tpu.memory_space<vmem>> -> memref<1000xi32, #tpu.memory_space<vmem>>
      %dma_start3A_63 = tpu.memref_slice %arg2[%add3A] : memref<400000xi32, #tpu.memory_space<hbm>> -> memref<1000xi32, #tpu.memory_space<hbm>>
      %dma_start3A_64 = arith.constant 0 : i32
      %dma_start3A_65 = tpu.memref_slice %arg13[%dma_start3A_64] : memref<2000xi32, #tpu.memory_space<vmem>> -> memref<1000xi32, #tpu.memory_space<vmem>>
      %dma_start3A_66 = tpu.memref_slice %arg2[%add3A] : memref<400000xi32, #tpu.memory_space<hbm>> -> memref<1000xi32, #tpu.memory_space<hbm>>
      tpu.enqueue_dma source(%dma_start3A_66 : memref<1000xi32, #tpu.memory_space<hbm>>) target(%dma_start3A_65 : memref<1000xi32, #tpu.memory_space<vmem>>) target_semaphore(%arg17 : memref<!tpu.dma_semaphore, #tpu.memory_space<semaphore_mem>>)
      %dma_start3A_67 = arith.constant 0 : i32
      %dma_start3A_68 = tpu.memref_slice %arg14[%dma_start3A_67] : memref<2000xi32, #tpu.memory_space<vmem>> -> memref<1000xi32, #tpu.memory_space<vmem>>
      %dma_start3A_69 = tpu.memref_slice %arg3[%add3A] : memref<400000xi32, #tpu.memory_space<hbm>> -> memref<1000xi32, #tpu.memory_space<hbm>>
      %dma_start3A_70 = arith.constant 0 : i32
      %dma_start3A_71 = tpu.memref_slice %arg14[%dma_start3A_70] : memref<2000xi32, #tpu.memory_space<vmem>> -> memref<1000xi32, #tpu.memory_space<vmem>>
      %dma_start3A_72 = tpu.memref_slice %arg3[%add3A] : memref<400000xi32, #tpu.memory_space<hbm>> -> memref<1000xi32, #tpu.memory_space<hbm>>
      tpu.enqueue_dma source(%dma_start3A_72 : memref<1000xi32, #tpu.memory_space<hbm>>) target(%dma_start3A_71 : memref<1000xi32, #tpu.memory_space<vmem>>) target_semaphore(%arg18 : memref<!tpu.dma_semaphore, #tpu.memory_space<semaphore_mem>>)
      %dma_wait3A_73 = arith.constant 0 : i32
      %dma_wait3A_74 = tpu.memref_slice %arg15[%dma_wait3A_73] : memref<2000xf32, #tpu.memory_space<vmem>> -> memref<1000xf32, #tpu.memory_space<vmem>>
      %dma_wait3A_75 = tpu.memref_slice %arg12[%add3A_54] : memref<400008xf32, #tpu.memory_space<vmem_shared>> -> memref<1000xf32, #tpu.memory_space<vmem_shared>>
      %dma_wait3A_76 = arith.constant 0 : i32
      %dma_wait3A_77 = tpu.memref_slice %arg15[%dma_wait3A_76] : memref<2000xf32, #tpu.memory_space<vmem>> -> memref<1000xf32, #tpu.memory_space<vmem>>
      %dma_wait3A_78 = tpu.memref_slice %arg12[%add3A_54] : memref<400008xf32, #tpu.memory_space<vmem_shared>> -> memref<1000xf32, #tpu.memory_space<vmem_shared>>
      tpu.wait_dma2 semaphore(%arg16 : memref<!tpu.dma_semaphore, #tpu.memory_space<semaphore_mem>>) src(%dma_wait3A_78 : memref<1000xf32, #tpu.memory_space<vmem_shared>>) dst(%dma_wait3A_77 : memref<1000xf32, #tpu.memory_space<vmem>>)
      %dma_wait3A_79 = arith.constant 0 : i32
      %dma_wait3A_80 = tpu.memref_slice %arg13[%dma_wait3A_79] : memref<2000xi32, #tpu.memory_space<vmem>> -> memref<1000xi32, #tpu.memory_space<vmem>>
      %dma_wait3A_81 = tpu.memref_slice %arg2[%add3A] : memref<400000xi32, #tpu.memory_space<hbm>> -> memref<1000xi32, #tpu.memory_space<hbm>>
      %dma_wait3A_82 = arith.constant 0 : i32
      %dma_wait3A_83 = tpu.memref_slice %arg13[%dma_wait3A_82] : memref<2000xi32, #tpu.memory_space<vmem>> -> memref<1000xi32, #tpu.memory_space<vmem>>
      %dma_wait3A_84 = tpu.memref_slice %arg2[%add3A] : memref<400000xi32, #tpu.memory_space<hbm>> -> memref<1000xi32, #tpu.memory_space<hbm>>
      tpu.wait_dma2 semaphore(%arg17 : memref<!tpu.dma_semaphore, #tpu.memory_space<semaphore_mem>>) src(%dma_wait3A_84 : memref<1000xi32, #tpu.memory_space<hbm>>) dst(%dma_wait3A_83 : memref<1000xi32, #tpu.memory_space<vmem>>)
      %dma_wait3A_85 = arith.constant 0 : i32
      %dma_wait3A_86 = tpu.memref_slice %arg14[%dma_wait3A_85] : memref<2000xi32, #tpu.memory_space<vmem>> -> memref<1000xi32, #tpu.memory_space<vmem>>
      %dma_wait3A_87 = tpu.memref_slice %arg3[%add3A] : memref<400000xi32, #tpu.memory_space<hbm>> -> memref<1000xi32, #tpu.memory_space<hbm>>
      %dma_wait3A_88 = arith.constant 0 : i32
      %dma_wait3A_89 = tpu.memref_slice %arg14[%dma_wait3A_88] : memref<2000xi32, #tpu.memory_space<vmem>> -> memref<1000xi32, #tpu.memory_space<vmem>>
      %dma_wait3A_90 = tpu.memref_slice %arg3[%add3A] : memref<400000xi32, #tpu.memory_space<hbm>> -> memref<1000xi32, #tpu.memory_space<hbm>>
      tpu.wait_dma2 semaphore(%arg18 : memref<!tpu.dma_semaphore, #tpu.memory_space<semaphore_mem>>) src(%dma_wait3A_90 : memref<1000xi32, #tpu.memory_space<hbm>>) dst(%dma_wait3A_89 : memref<1000xi32, #tpu.memory_space<vmem>>)
      %dma_start3A_91 = arith.constant 0 : i32
      %dma_start3A_92 = tpu.memref_slice %arg15[%dma_start3A_91] : memref<2000xf32, #tpu.memory_space<vmem>> -> memref<1000xf32, #tpu.memory_space<vmem>>
      %dma_start3A_93 = arith.constant 0 : i32
      %dma_start3A_94 = tpu.memref_slice %arg13[%dma_start3A_93] : memref<2000xi32, #tpu.memory_space<vmem>> -> memref<1000xi32, #tpu.memory_space<vmem>>
      %dma_start3A_95 = arith.constant 0 : i32
      %dma_start3A_96 = tpu.memref_slice %arg11[%dma_start3A_95] : memref<800000xf32, #tpu.memory_space<vmem_shared>> -> memref<800000xf32, #tpu.memory_space<vmem_shared>>
      tpu.enqueue_indirect_dma source(%dma_start3A_92 : memref<1000xf32, #tpu.memory_space<vmem>>) target(%dma_start3A_96 : memref<800000xf32, #tpu.memory_space<vmem_shared>>) offsets(%dma_start3A_94 : memref<1000xi32, #tpu.memory_space<vmem>>) semaphore(%arg16 : memref<!tpu.dma_semaphore, #tpu.memory_space<semaphore_mem>>) {add = true}
      %dma_start3A_97 = arith.constant 0 : i32
      %dma_start3A_98 = tpu.memref_slice %arg15[%dma_start3A_97] : memref<2000xf32, #tpu.memory_space<vmem>> -> memref<1000xf32, #tpu.memory_space<vmem>>
      %dma_start3A_99 = arith.constant 0 : i32
      %dma_start3A_100 = tpu.memref_slice %arg14[%dma_start3A_99] : memref<2000xi32, #tpu.memory_space<vmem>> -> memref<1000xi32, #tpu.memory_space<vmem>>
      %dma_start3A_101 = arith.constant 0 : i32
      %dma_start3A_102 = tpu.memref_slice %arg11[%dma_start3A_101] : memref<800000xf32, #tpu.memory_space<vmem_shared>> -> memref<800000xf32, #tpu.memory_space<vmem_shared>>
      tpu.enqueue_indirect_dma source(%dma_start3A_98 : memref<1000xf32, #tpu.memory_space<vmem>>) target(%dma_start3A_102 : memref<800000xf32, #tpu.memory_space<vmem_shared>>) offsets(%dma_start3A_100 : memref<1000xi32, #tpu.memory_space<vmem>>) semaphore(%arg17 : memref<!tpu.dma_semaphore, #tpu.memory_space<semaphore_mem>>) {add = true}
      %dma_wait3A_103 = arith.constant 0 : i32
      %dma_wait3A_104 = tpu.memref_slice %arg15[%dma_wait3A_103] : memref<2000xf32, #tpu.memory_space<vmem>> -> memref<1000xf32, #tpu.memory_space<vmem>>
      %dma_wait3A_105 = arith.constant 0 : i32
      %dma_wait3A_106 = tpu.memref_slice %arg13[%dma_wait3A_105] : memref<2000xi32, #tpu.memory_space<vmem>> -> memref<1000xi32, #tpu.memory_space<vmem>>
      %dma_wait3A_107 = arith.constant 0 : i32
      %dma_wait3A_108 = tpu.memref_slice %arg11[%dma_wait3A_107] : memref<800000xf32, #tpu.memory_space<vmem_shared>> -> memref<800000xf32, #tpu.memory_space<vmem_shared>>
      tpu.wait_indirect_dma semaphore(%arg16 : memref<!tpu.dma_semaphore, #tpu.memory_space<semaphore_mem>>) src(%dma_wait3A_104 : memref<1000xf32, #tpu.memory_space<vmem>>) dst(%dma_wait3A_108 : memref<800000xf32, #tpu.memory_space<vmem_shared>>)
      %dma_wait3A_109 = arith.constant 0 : i32
      %dma_wait3A_110 = tpu.memref_slice %arg15[%dma_wait3A_109] : memref<2000xf32, #tpu.memory_space<vmem>> -> memref<1000xf32, #tpu.memory_space<vmem>>
      %dma_wait3A_111 = arith.constant 0 : i32
      %dma_wait3A_112 = tpu.memref_slice %arg14[%dma_wait3A_111] : memref<2000xi32, #tpu.memory_space<vmem>> -> memref<1000xi32, #tpu.memory_space<vmem>>
      %dma_wait3A_113 = arith.constant 0 : i32
      %dma_wait3A_114 = tpu.memref_slice %arg11[%dma_wait3A_113] : memref<800000xf32, #tpu.memory_space<vmem_shared>> -> memref<800000xf32, #tpu.memory_space<vmem_shared>>
      tpu.wait_indirect_dma semaphore(%arg17 : memref<!tpu.dma_semaphore, #tpu.memory_space<semaphore_mem>>) src(%dma_wait3A_110 : memref<1000xf32, #tpu.memory_space<vmem>>) dst(%dma_wait3A_114 : memref<800000xf32, #tpu.memory_space<vmem_shared>>)
    }
    %scan3A_40 = arith.constant 25 : i32
    %barrier3A_41 = arith.constant 0 : index
    tpu.barrier barrier_id(%barrier3A_41)
    %dma_start3A_42 = tpu.memref_slice %arg8[%mul3A_2] : memref<800000xi32, #tpu.memory_space<hbm>> -> memref<50000xi32, #tpu.memory_space<hbm>>
    %dma_start3A_43 = tpu.memref_slice %arg10[%mul3A_2] : memref<800000xi32, #tpu.memory_space<vmem_shared>> -> memref<50000xi32, #tpu.memory_space<vmem_shared>>
    tpu.enqueue_dma source(%dma_start3A_43 : memref<50000xi32, #tpu.memory_space<vmem_shared>>) target(%dma_start3A_42 : memref<50000xi32, #tpu.memory_space<hbm>>) target_semaphore(%arg16 : memref<!tpu.dma_semaphore, #tpu.memory_space<semaphore_mem>>)
    %dma_start3A_44 = tpu.memref_slice %arg9[%mul3A_2] : memref<800000xf32, #tpu.memory_space<hbm>> -> memref<50000xf32, #tpu.memory_space<hbm>>
    %dma_start3A_45 = tpu.memref_slice %arg11[%mul3A_2] : memref<800000xf32, #tpu.memory_space<vmem_shared>> -> memref<50000xf32, #tpu.memory_space<vmem_shared>>
    tpu.enqueue_dma source(%dma_start3A_45 : memref<50000xf32, #tpu.memory_space<vmem_shared>>) target(%dma_start3A_44 : memref<50000xf32, #tpu.memory_space<hbm>>) target_semaphore(%arg17 : memref<!tpu.dma_semaphore, #tpu.memory_space<semaphore_mem>>)
    %dma_wait3A_46 = tpu.memref_slice %arg8[%mul3A_2] : memref<800000xi32, #tpu.memory_space<hbm>> -> memref<50000xi32, #tpu.memory_space<hbm>>
    %dma_wait3A_47 = tpu.memref_slice %arg10[%mul3A_2] : memref<800000xi32, #tpu.memory_space<vmem_shared>> -> memref<50000xi32, #tpu.memory_space<vmem_shared>>
    tpu.wait_dma2 semaphore(%arg16 : memref<!tpu.dma_semaphore, #tpu.memory_space<semaphore_mem>>) src(%dma_wait3A_47 : memref<50000xi32, #tpu.memory_space<vmem_shared>>) dst(%dma_wait3A_46 : memref<50000xi32, #tpu.memory_space<hbm>>)
    %dma_wait3A_48 = tpu.memref_slice %arg9[%mul3A_2] : memref<800000xf32, #tpu.memory_space<hbm>> -> memref<50000xf32, #tpu.memory_space<hbm>>
    %dma_wait3A_49 = tpu.memref_slice %arg11[%mul3A_2] : memref<800000xf32, #tpu.memory_space<vmem_shared>> -> memref<50000xf32, #tpu.memory_space<vmem_shared>>
    tpu.wait_dma2 semaphore(%arg17 : memref<!tpu.dma_semaphore, #tpu.memory_space<semaphore_mem>>) src(%dma_wait3A_49 : memref<50000xf32, #tpu.memory_space<vmem_shared>>) dst(%dma_wait3A_48 : memref<50000xf32, #tpu.memory_space<hbm>>)
    return
  }
}

module attributes {stable_mosaic.version = 14 : i64} {
  func.func @_pq_body(%arg0: i32, %arg1: memref<2000x1xf32, #tpu.memory_space<vmem>>, %arg2: memref<1x16xf32, #tpu.memory_space<vmem>>, %arg3: memref<1x16xf32, #tpu.memory_space<vmem>>, %arg4: memref<16x16xf32, #tpu.memory_space<vmem>>, %arg5: memref<16x16xf32, #tpu.memory_space<vmem>>, %arg6: memref<2000x16xf32, #tpu.memory_space<vmem>>, %arg7: memref<2000x16xf32, #tpu.memory_space<vmem>>) attributes {dimension_semantics = [#tpu.dimension_semantics<arbitrary>], iteration_bounds = array<i64: 25>, scalar_prefetch = 0 : i64, scratch_operands = 0 : i64, tpu.core_type = #tpu.core_type<tc>, window_params = [{transform_indices = @transform_0, window_bounds = array<i64: 2000, 1>}, {pipeline_mode = #tpu.pipeline_mode<synchronous>, transform_indices = @transform_1, window_bounds = array<i64: 1, 16>}, {pipeline_mode = #tpu.pipeline_mode<synchronous>, transform_indices = @transform_2, window_bounds = array<i64: 1, 16>}, {pipeline_mode = #tpu.pipeline_mode<synchronous>, transform_indices = @transform_3, window_bounds = array<i64: 16, 16>}, {pipeline_mode = #tpu.pipeline_mode<synchronous>, transform_indices = @transform_4, window_bounds = array<i64: 16, 16>}, {transform_indices = @transform_5, window_bounds = array<i64: 2000, 16>}, {transform_indices = @transform_6, window_bounds = array<i64: 2000, 16>}]} {
    %get3A = arith.constant 0 : index
    %get3A_0 = arith.constant 0 : index
    %get3A_1 = vector.load %arg1[%get3A, %get3A_0] : memref<2000x1xf32, #tpu.memory_space<vmem>>, vector<2000x1xf32>
    %get3A_2 = arith.constant 0 : index
    %get3A_3 = arith.constant 0 : index
    %get3A_4 = vector.load %arg2[%get3A_2, %get3A_3] : memref<1x16xf32, #tpu.memory_space<vmem>>, vector<1x16xf32>
    %mul3A = vector.broadcast %get3A_1 : vector<2000x1xf32> to vector<2000x16xf32>
    %mul3A_5 = vector.broadcast %get3A_4 : vector<1x16xf32> to vector<2000x16xf32>
    %mul3A_6 = arith.mulf %mul3A, %mul3A_5 : vector<2000x16xf32>
    %get3A_7 = arith.constant 0 : index
    %get3A_8 = arith.constant 0 : index
    %get3A_9 = vector.load %arg3[%get3A_7, %get3A_8] : memref<1x16xf32, #tpu.memory_space<vmem>>, vector<1x16xf32>
    %add3A = vector.broadcast %get3A_9 : vector<1x16xf32> to vector<2000x16xf32>
    %add3A_10 = arith.addf %mul3A_6, %add3A : vector<2000x16xf32>
    %tanh3A = math.tanh %add3A_10 : vector<2000x16xf32>
    %get3A_11 = arith.constant 0 : index
    %get3A_12 = arith.constant 0 : index
    %get3A_13 = vector.load %arg4[%get3A_11, %get3A_12] : memref<16x16xf32, #tpu.memory_space<vmem>>, vector<16x16xf32>
    %dot_general3A = arith.constant dense<0.000000e+00> : vector<2000x16xf32>
    %dot_general3A_14 = tpu.matmul %tanh3A, %get3A_13, %dot_general3A {dimension_numbers = #tpu.dot_dimension_numbers<[1], [0], [0], [1], [0, 0, 1, 1], [], []>, transpose_lhs_hint = false} : vector<2000x16xf32>, vector<16x16xf32>, vector<2000x16xf32> -> vector<2000x16xf32>
    %swap3A = arith.constant 0 : index
    %swap3A_15 = arith.constant 0 : index
    %swap3A_16 = vector.load %arg6[%swap3A, %swap3A_15] : memref<2000x16xf32, #tpu.memory_space<vmem>>, vector<2000x16xf32>
    tpu.vector_store %arg6[%swap3A, %swap3A_15], %dot_general3A_14 {strides = array<i32>} : memref<2000x16xf32, #tpu.memory_space<vmem>>, vector<2000x16xf32>,
    %get3A_17 = arith.constant 0 : index
    %get3A_18 = arith.constant 0 : index
    %get3A_19 = vector.load %arg5[%get3A_17, %get3A_18] : memref<16x16xf32, #tpu.memory_space<vmem>>, vector<16x16xf32>
    %dot_general3A_20 = arith.constant dense<0.000000e+00> : vector<2000x16xf32>
    %dot_general3A_21 = tpu.matmul %tanh3A, %get3A_19, %dot_general3A_20 {dimension_numbers = #tpu.dot_dimension_numbers<[1], [0], [0], [1], [0, 0, 1, 1], [], []>, transpose_lhs_hint = false} : vector<2000x16xf32>, vector<16x16xf32>, vector<2000x16xf32> -> vector<2000x16xf32>
    %swap3A_22 = arith.constant 0 : index
    %swap3A_23 = arith.constant 0 : index
    %swap3A_24 = vector.load %arg7[%swap3A_22, %swap3A_23] : memref<2000x16xf32, #tpu.memory_space<vmem>>, vector<2000x16xf32>
    tpu.vector_store %arg7[%swap3A_22, %swap3A_23], %dot_general3A_21 {strides = array<i32>} : memref<2000x16xf32, #tpu.memory_space<vmem>>, vector<2000x16xf32>,
    return
  }
  func.func @transform_0(%arg0: i32) -> (i32, i32) {
    %c0_i32 = arith.constant 0 : i32
    %c0_i32_0 = arith.constant 0 : i32
    return %arg0, %c0_i32 : i32, i32
  }
  func.func @transform_1(%arg0: i32) -> (i32, i32) {
    %c0_i32 = arith.constant 0 : i32
    %c0_i32_0 = arith.constant 0 : i32
    %c0_i32_1 = arith.constant 0 : i32
    return %c0_i32, %c0_i32_0 : i32, i32
  }
  func.func @transform_2(%arg0: i32) -> (i32, i32) {
    %c0_i32 = arith.constant 0 : i32
    %c0_i32_0 = arith.constant 0 : i32
    %c0_i32_1 = arith.constant 0 : i32
    return %c0_i32, %c0_i32_0 : i32, i32
  }
  func.func @transform_3(%arg0: i32) -> (i32, i32) {
    %c0_i32 = arith.constant 0 : i32
    %c0_i32_0 = arith.constant 0 : i32
    %c0_i32_1 = arith.constant 0 : i32
    return %c0_i32, %c0_i32_0 : i32, i32
  }
  func.func @transform_4(%arg0: i32) -> (i32, i32) {
    %c0_i32 = arith.constant 0 : i32
    %c0_i32_0 = arith.constant 0 : i32
    %c0_i32_1 = arith.constant 0 : i32
    return %c0_i32, %c0_i32_0 : i32, i32
  }
  func.func @transform_5(%arg0: i32) -> (i32, i32) {
    %c0_i32 = arith.constant 0 : i32
    %c0_i32_0 = arith.constant 0 : i32
    return %arg0, %c0_i32 : i32, i32
  }
  func.func @transform_6(%arg0: i32) -> (i32, i32) {
    %c0_i32 = arith.constant 0 : i32
    %c0_i32_0 = arith.constant 0 : i32
    return %arg0, %c0_i32 : i32, i32
  }
}

module attributes {stable_mosaic.version = 14 : i64} {
  func.func @_norm_tri_body(%arg0: memref<6250x128xf32, #tpu.memory_space<vmem>>, %arg1: memref<6250x128xi32, #tpu.memory_space<vmem>>, %arg2: memref<6250x128xi32, #tpu.memory_space<vmem>>, %arg3: memref<1x1xf32, #tpu.memory_space<vmem>>, %arg4: memref<6250x128xf32, #tpu.memory_space<vmem>>) attributes {dimension_semantics = [], scalar_prefetch = 0 : i64, scratch_operands = 0 : i64, tpu.core_type = #tpu.core_type<tc>} {
    %get3A = arith.constant 0 : index
    %get3A_0 = arith.constant 0 : index
    %get3A_1 = vector.load %arg1[%get3A, %get3A_0] : memref<6250x128xi32, #tpu.memory_space<vmem>>, vector<6250x128xi32>
    %get3A_2 = arith.constant 0 : index
    %get3A_3 = arith.constant 0 : index
    %get3A_4 = vector.load %arg2[%get3A_2, %get3A_3] : memref<6250x128xi32, #tpu.memory_space<vmem>>, vector<6250x128xi32>
    %ge3A = arith.cmpi sge, %get3A_1, %get3A_4 : vector<6250x128xi32>
    %get3A_5 = arith.constant 0 : index
    %get3A_6 = arith.constant 0 : index
    %get3A_7 = vector.load %arg0[%get3A_5, %get3A_6] : memref<6250x128xf32, #tpu.memory_space<vmem>>, vector<6250x128xf32>
    %jit3A = arith.constant 0.000000e+00 : f32
    %broadcast_in_dim3A = vector.broadcast %jit3A : f32 to vector<6250x128xf32>
    %select_n3A = arith.select %ge3A, %get3A_7, %broadcast_in_dim3A : vector<6250x128xi1>, vector<6250x128xf32>
    %swap3A = arith.constant 0 : index
    %swap3A_8 = arith.constant 0 : index
    %swap3A_9 = vector.load %arg4[%swap3A, %swap3A_8] : memref<6250x128xf32, #tpu.memory_space<vmem>>, vector<6250x128xf32>
    tpu.vector_store %arg4[%swap3A, %swap3A_8], %select_n3A {strides = array<i32>} : memref<6250x128xf32, #tpu.memory_space<vmem>>, vector<6250x128xf32>,
    %get3A_10 = arith.constant 0 : index
    %get3A_11 = arith.constant 0 : index
    %get3A_12 = vector.load %arg0[%get3A_10, %get3A_11] : memref<6250x128xf32, #tpu.memory_space<vmem>>, vector<6250x128xf32>
    %abs3A = math.absf %get3A_12 : vector<6250x128xf32>
    %reduce_max3A = vector.shape_cast %abs3A : vector<6250x128xf32> to vector<1x6250x128xf32>
    %reduce_max3A_13 = arith.constant dense<0xFF800000> : vector<1xf32>
    %reduce_max3A_14 = vector.multi_reduction <maximumf>, %reduce_max3A, %reduce_max3A_13 [1, 2] : vector<1x6250x128xf32> to vector<1xf32>
    %reduce_max3A_15 = vector.shape_cast %reduce_max3A_14 : vector<1xf32> to vector<1x1x1xf32>
    %reduce_max3A_16 = vector.extract %reduce_max3A_15[0, 0, 0] : f32 from vector<1x1x1xf32>
    %reshape3A = vector.broadcast %reduce_max3A_16 : f32 to vector<1x1xf32>
    %swap3A_17 = arith.constant 0 : index
    %swap3A_18 = arith.constant 0 : index
    %swap3A_19 = vector.load %arg3[%swap3A_17, %swap3A_18] : memref<1x1xf32, #tpu.memory_space<vmem>>, vector<1x1xf32>
    tpu.vector_store %arg3[%swap3A_17, %swap3A_18], %reshape3A {strides = array<i32>} : memref<1x1xf32, #tpu.memory_space<vmem>>, vector<1x1xf32>,
    return
  }
}

module attributes {stable_mosaic.version = 14 : i64} {
  func.func @_cw_body(%arg0: memref<6250x128xi32, #tpu.memory_space<vmem>>, %arg1: memref<6250x128xf32, #tpu.memory_space<vmem>>, %arg2: memref<6250x128xf32, #tpu.memory_space<vmem>>, %arg3: memref<6250x128xf32, #tpu.memory_space<vmem>>, %arg4: memref<1x1xf32, #tpu.memory_space<vmem>>) attributes {dimension_semantics = [], scalar_prefetch = 0 : i64, scratch_operands = 0 : i64, tpu.core_type = #tpu.core_type<tc>} {
    %get3A = arith.constant 0 : index
    %get3A_0 = arith.constant 0 : index
    %get3A_1 = vector.load %arg0[%get3A, %get3A_0] : memref<6250x128xi32, #tpu.memory_space<vmem>>, vector<6250x128xi32>
    %eq3A = arith.constant 0 : i32
    %eq3A_2 = vector.broadcast %eq3A : i32 to vector<6250x128xi32>
    %eq3A_3 = arith.cmpi eq, %get3A_1, %eq3A_2 : vector<6250x128xi32>
    %get3A_4 = arith.constant 0 : index
    %get3A_5 = arith.constant 0 : index
    %get3A_6 = vector.load %arg2[%get3A_4, %get3A_5] : memref<6250x128xf32, #tpu.memory_space<vmem>>, vector<6250x128xf32>
    %jit3A = arith.constant 0.000000e+00 : f32
    %broadcast_in_dim3A = vector.broadcast %jit3A : f32 to vector<6250x128xf32>
    %select_n3A = arith.select %eq3A_3, %get3A_6, %broadcast_in_dim3A : vector<6250x128xi1>, vector<6250x128xf32>
    %get3A_7 = arith.constant 0 : index
    %get3A_8 = arith.constant 0 : index
    %get3A_9 = vector.load %arg1[%get3A_7, %get3A_8] : memref<6250x128xf32, #tpu.memory_space<vmem>>, vector<6250x128xf32>
    %mul3A = arith.constant 5.000000e-01 : f32
    %mul3A_10 = vector.broadcast %mul3A : f32 to vector<6250x128xf32>
    %mul3A_11 = arith.mulf %mul3A_10, %get3A_9 : vector<6250x128xf32>
    %add3A = arith.addf %select_n3A, %mul3A_11 : vector<6250x128xf32>
    %swap3A = arith.constant 0 : index
    %swap3A_12 = arith.constant 0 : index
    %swap3A_13 = vector.load %arg3[%swap3A, %swap3A_12] : memref<6250x128xf32, #tpu.memory_space<vmem>>, vector<6250x128xf32>
    tpu.vector_store %arg3[%swap3A, %swap3A_12], %add3A {strides = array<i32>} : memref<6250x128xf32, #tpu.memory_space<vmem>>, vector<6250x128xf32>,
    %get3A_14 = arith.constant 0 : index
    %get3A_15 = arith.constant 0 : index
    %get3A_16 = vector.load %arg2[%get3A_14, %get3A_15] : memref<6250x128xf32, #tpu.memory_space<vmem>>, vector<6250x128xf32>
    %reduce_sum3A = vector.shape_cast %get3A_16 : vector<6250x128xf32> to vector<1x6250x128xf32>
    %reduce_sum3A_17 = arith.constant dense<0.000000e+00> : vector<1xf32>
    %reduce_sum3A_18 = vector.multi_reduction <add>, %reduce_sum3A, %reduce_sum3A_17 [1, 2] : vector<1x6250x128xf32> to vector<1xf32>
    %reduce_sum3A_19 = vector.shape_cast %reduce_sum3A_18 : vector<1xf32> to vector<1x1x1xf32>
    %reduce_sum3A_20 = vector.extract %reduce_sum3A_19[0, 0, 0] : f32 from vector<1x1x1xf32>
    %reshape3A = vector.broadcast %reduce_sum3A_20 : f32 to vector<1x1xf32>
    %swap3A_21 = arith.constant 0 : index
    %swap3A_22 = arith.constant 0 : index
    %swap3A_23 = vector.load %arg4[%swap3A_21, %swap3A_22] : memref<1x1xf32, #tpu.memory_space<vmem>>, vector<1x1xf32>
    tpu.vector_store %arg4[%swap3A_21, %swap3A_22], %reshape3A {strides = array<i32>} : memref<1x1xf32, #tpu.memory_space<vmem>>, vector<1x1xf32>,
    return
  }
}

module attributes {stable_mosaic.version = 14 : i64} {
  func.func @_edge_body(%arg0: i32, %arg1: memref<8000x1xf32, #tpu.memory_space<vmem>>, %arg2: memref<8000x16xf32, #tpu.memory_space<vmem>>, %arg3: memref<8000x16xf32, #tpu.memory_space<vmem>>, %arg4: memref<1x1x8000xf32, #tpu.memory_space<vmem>>, %arg5: memref<1x1xf32, #tpu.memory_space<vmem>>, %arg6: memref<1x16xf32, #tpu.memory_space<vmem>>, %arg7: memref<1x16xf32, #tpu.memory_space<vmem>>, %arg8: memref<16x16xf32, #tpu.memory_space<vmem>>, %arg9: memref<1x16xf32, #tpu.memory_space<vmem>>, %arg10: memref<1x16xf32, #tpu.memory_space<vmem>>) attributes {dimension_semantics = [#tpu.dimension_semantics<arbitrary>], iteration_bounds = array<i64: 100>, scalar_prefetch = 0 : i64, scratch_operands = 0 : i64, tpu.core_type = #tpu.core_type<tc>, window_params = [{transform_indices = @transform_0, window_bounds = array<i64: 8000, 1>}, {transform_indices = @transform_1, window_bounds = array<i64: 8000, 16>}, {transform_indices = @transform_2, window_bounds = array<i64: 8000, 16>}, {transform_indices = @transform_3, window_bounds = array<i64: 1, 1, 8000>}, {pipeline_mode = #tpu.pipeline_mode<synchronous>, transform_indices = @transform_4, window_bounds = array<i64: 1, 1>}, {pipeline_mode = #tpu.pipeline_mode<synchronous>, transform_indices = @transform_5, window_bounds = array<i64: 1, 16>}, {pipeline_mode = #tpu.pipeline_mode<synchronous>, transform_indices = @transform_6, window_bounds = array<i64: 1, 16>}, {pipeline_mode = #tpu.pipeline_mode<synchronous>, transform_indices = @transform_7, window_bounds = array<i64: 16, 16>}, {pipeline_mode = #tpu.pipeline_mode<synchronous>, transform_indices = @transform_8, window_bounds = array<i64: 1, 16>}, {pipeline_mode = #tpu.pipeline_mode<synchronous>, transform_indices = @transform_9, window_bounds = array<i64: 1, 16>}]} {
    %get3A = arith.constant 0 : index
    %get3A_0 = arith.constant 0 : index
    %get3A_1 = vector.load %arg1[%get3A, %get3A_0] : memref<8000x1xf32, #tpu.memory_space<vmem>>, vector<8000x1xf32>
    %get3A_2 = arith.constant 0 : index
    %get3A_3 = arith.constant 0 : index
    %get3A_4 = vector.load %arg5[%get3A_2, %get3A_3] : memref<1x1xf32, #tpu.memory_space<vmem>>, vector<1x1xf32>
    %div3A = vector.broadcast %get3A_4 : vector<1x1xf32> to vector<8000x1xf32>
    %div3A_5 = arith.divf %get3A_1, %div3A : vector<8000x1xf32>
    %get3A_6 = arith.constant 0 : index
    %get3A_7 = arith.constant 0 : index
    %get3A_8 = vector.load %arg6[%get3A_6, %get3A_7] : memref<1x16xf32, #tpu.memory_space<vmem>>, vector<1x16xf32>
    %mul3A = vector.broadcast %div3A_5 : vector<8000x1xf32> to vector<8000x16xf32>
    %mul3A_9 = vector.broadcast %get3A_8 : vector<1x16xf32> to vector<8000x16xf32>
    %mul3A_10 = arith.mulf %mul3A, %mul3A_9 : vector<8000x16xf32>
    %get3A_11 = arith.constant 0 : index
    %get3A_12 = arith.constant 0 : index
    %get3A_13 = vector.load %arg7[%get3A_11, %get3A_12] : memref<1x16xf32, #tpu.memory_space<vmem>>, vector<1x16xf32>
    %add3A = vector.broadcast %get3A_13 : vector<1x16xf32> to vector<8000x16xf32>
    %add3A_14 = arith.addf %mul3A_10, %add3A : vector<8000x16xf32>
    %tanh3A = math.tanh %add3A_14 : vector<8000x16xf32>
    %get3A_15 = arith.constant 0 : index
    %get3A_16 = arith.constant 0 : index
    %get3A_17 = vector.load %arg8[%get3A_15, %get3A_16] : memref<16x16xf32, #tpu.memory_space<vmem>>, vector<16x16xf32>
    %dot_general3A = arith.constant dense<0.000000e+00> : vector<8000x16xf32>
    %dot_general3A_18 = tpu.matmul %tanh3A, %get3A_17, %dot_general3A {dimension_numbers = #tpu.dot_dimension_numbers<[1], [0], [0], [1], [0, 0, 1, 1], [], []>, transpose_lhs_hint = false} : vector<8000x16xf32>, vector<16x16xf32>, vector<8000x16xf32> -> vector<8000x16xf32>
    %get3A_19 = arith.constant 0 : index
    %get3A_20 = arith.constant 0 : index
    %get3A_21 = vector.load %arg9[%get3A_19, %get3A_20] : memref<1x16xf32, #tpu.memory_space<vmem>>, vector<1x16xf32>
    %add3A_22 = vector.broadcast %get3A_21 : vector<1x16xf32> to vector<8000x16xf32>
    %add3A_23 = arith.addf %dot_general3A_18, %add3A_22 : vector<8000x16xf32>
    %get3A_24 = arith.constant 0 : index
    %get3A_25 = arith.constant 0 : index
    %get3A_26 = vector.load %arg2[%get3A_24, %get3A_25] : memref<8000x16xf32, #tpu.memory_space<vmem>>, vector<8000x16xf32>
    %get3A_27 = arith.constant 0 : index
    %get3A_28 = arith.constant 0 : index
    %get3A_29 = vector.load %arg3[%get3A_27, %get3A_28] : memref<8000x16xf32, #tpu.memory_space<vmem>>, vector<8000x16xf32>
    %add3A_30 = arith.addf %get3A_26, %get3A_29 : vector<8000x16xf32>
    %add3A_31 = arith.addf %add3A_30, %add3A_23 : vector<8000x16xf32>
    %tanh3A_32 = math.tanh %add3A_31 : vector<8000x16xf32>
    %get3A_33 = arith.constant 0 : index
    %get3A_34 = arith.constant 0 : index
    %get3A_35 = arith.constant 0 : index
    %get3A_36 = vector.load %arg4[%get3A_33, %get3A_34, %get3A_35] : memref<1x1x8000xf32, #tpu.memory_space<vmem>>, vector<1x1x8000xf32>
    %reshape3A = vector.shape_cast %get3A_36 : vector<1x1x8000xf32> to vector<1x8000xf32>
    %dot_general3A_37 = arith.constant dense<0.000000e+00> : vector<1x16xf32>
    %dot_general3A_38 = tpu.matmul %reshape3A, %tanh3A_32, %dot_general3A_37 {dimension_numbers = #tpu.dot_dimension_numbers<[1], [0], [0], [1], [0, 0, 1, 1], [], []>, transpose_lhs_hint = false} : vector<1x8000xf32>, vector<8000x16xf32>, vector<1x16xf32> -> vector<1x16xf32>
    %eq3A = arith.constant 0 : i32
    %eq3A_39 = arith.cmpi eq, %arg0, %eq3A : i32
    %convert_element_type3A = arith.extui %eq3A_39 : i1 to i32
    %cond3A = arith.constant 0 : i32
    %cond3A_40 = arith.cmpi ne, %convert_element_type3A, %cond3A : i32
    scf.if %cond3A_40 {
      %swap3A = arith.constant 0 : index
      %swap3A_45 = arith.constant 0 : index
      %swap3A_46 = vector.load %arg10[%swap3A, %swap3A_45] : memref<1x16xf32, #tpu.memory_space<vmem>>, vector<1x16xf32>
      tpu.vector_store %arg10[%swap3A, %swap3A_45], %dot_general3A_38 {strides = array<i32>} : memref<1x16xf32, #tpu.memory_space<vmem>>, vector<1x16xf32>,
    } else {
    }
    %gt3A = arith.constant 0 : i32
    %gt3A_41 = arith.cmpi sgt, %arg0, %gt3A : i32
    %convert_element_type3A_42 = arith.extui %gt3A_41 : i1 to i32
    %cond3A_43 = arith.constant 0 : i32
    %cond3A_44 = arith.cmpi ne, %convert_element_type3A_42, %cond3A_43 : i32
    scf.if %cond3A_44 {
      %get3A_45 = arith.constant 0 : index
      %get3A_46 = arith.constant 0 : index
      %get3A_47 = vector.load %arg10[%get3A_45, %get3A_46] : memref<1x16xf32, #tpu.memory_space<vmem>>, vector<1x16xf32>
      %add3A_48 = arith.addf %get3A_47, %dot_general3A_38 : vector<1x16xf32>
      %swap3A = arith.constant 0 : index
      %swap3A_49 = arith.constant 0 : index
      %swap3A_50 = vector.load %arg10[%swap3A, %swap3A_49] : memref<1x16xf32, #tpu.memory_space<vmem>>, vector<1x16xf32>
      tpu.vector_store %arg10[%swap3A, %swap3A_49], %add3A_48 {strides = array<i32>} : memref<1x16xf32, #tpu.memory_space<vmem>>, vector<1x16xf32>,
    } else {
    }
    return
  }
  func.func @transform_0(%arg0: i32) -> (i32, i32) {
    %c0_i32 = arith.constant 0 : i32
    %c0_i32_0 = arith.constant 0 : i32
    return %arg0, %c0_i32 : i32, i32
  }
  func.func @transform_1(%arg0: i32) -> (i32, i32) {
    %c0_i32 = arith.constant 0 : i32
    %c0_i32_0 = arith.constant 0 : i32
    return %arg0, %c0_i32 : i32, i32
  }
  func.func @transform_2(%arg0: i32) -> (i32, i32) {
    %c0_i32 = arith.constant 0 : i32
    %c0_i32_0 = arith.constant 0 : i32
    return %arg0, %c0_i32 : i32, i32
  }
  func.func @transform_3(%arg0: i32) -> (i32, i32, i32) {
    %c0_i32 = arith.constant 0 : i32
    %c0_i32_0 = arith.constant 0 : i32
    %c0_i32_1 = arith.constant 0 : i32
    return %arg0, %c0_i32, %c0_i32_0 : i32, i32, i32
  }
  func.func @transform_4(%arg0: i32) -> (i32, i32) {
    %c0_i32 = arith.constant 0 : i32
    %c0_i32_0 = arith.constant 0 : i32
    %c0_i32_1 = arith.constant 0 : i32
    return %c0_i32, %c0_i32_0 : i32, i32
  }
  func.func @transform_5(%arg0: i32) -> (i32, i32) {
    %c0_i32 = arith.constant 0 : i32
    %c0_i32_0 = arith.constant 0 : i32
    %c0_i32_1 = arith.constant 0 : i32
    return %c0_i32, %c0_i32_0 : i32, i32
  }
  func.func @transform_6(%arg0: i32) -> (i32, i32) {
    %c0_i32 = arith.constant 0 : i32
    %c0_i32_0 = arith.constant 0 : i32
    %c0_i32_1 = arith.constant 0 : i32
    return %c0_i32, %c0_i32_0 : i32, i32
  }
  func.func @transform_7(%arg0: i32) -> (i32, i32) {
    %c0_i32 = arith.constant 0 : i32
    %c0_i32_0 = arith.constant 0 : i32
    %c0_i32_1 = arith.constant 0 : i32
    return %c0_i32, %c0_i32_0 : i32, i32
  }
  func.func @transform_8(%arg0: i32) -> (i32, i32) {
    %c0_i32 = arith.constant 0 : i32
    %c0_i32_0 = arith.constant 0 : i32
    %c0_i32_1 = arith.constant 0 : i32
    return %c0_i32, %c0_i32_0 : i32, i32
  }
  func.func @transform_9(%arg0: i32) -> (i32, i32) {
    %c0_i32 = arith.constant 0 : i32
    %c0_i32_0 = arith.constant 0 : i32
    %c0_i32_1 = arith.constant 0 : i32
    return %c0_i32, %c0_i32_0 : i32, i32
  }
}

</mosaic_0001>

<sc_bundles>
// kernel: kernel.11.cloned.1.call-start
scs
__scs_entry_jumppad:
0x0: {  	(pc) =	sbr.rel $0x88, $3  }
0x1: {  	(tag) =	ssettag $0x0;
	lr =	simm.s32 $0x1  }
0x2: {  	[smem:$0x3F92] =	sst lr;
	_ =	strace $0xD0000000  }
0x3: {  	_ = 	snop  }
0x4: {  	_ = 	snop  }
0x5: {  	_ = 	snop  }
0x6: {  	_ = 	snop  }
0x7: {  	_ = 	snop  }
__scs_overlays_trampoline_lowered:
0x8: {  	[smem:$0x3FA1] =	sst s0  }
0x9: {  	[smem:$0x3FA2] =	sst s1  }
0xa: {  	[smem:$0x3FA3] =	sst s2  }
0xb: {  	[smem:$0x3FA4] =	sst s3  }
0xc: {  	[smem:$0x3FA5] =	sst s4  }
0xd: {  	[smem:$0x3FA6] =	sst s5  }
0xe: {  	[smem:$0x3FA7] =	sst s6  }
0xf: {  	[smem:$0x3FA8] =	sst s7  }
0x10: {  	[smem:$0x3FA9] =	sst s8  }
0x11: {  	[smem:$0x3FAA] =	sst s9;
	s0 =	simm.s32 @!p0 $0x0  }
0x12: {  	s1 =	sld [smem:$0x3F90];
	s0 =	simm.s32 @p0 $0x1  }
0x13: {  	[smem:$0x3FAB] =	sst s0;
	s0 =	simm.s32 @!p1 $0x0  }
0x14: {  	s2 =	sld [smem:$0x3F8F];
	s0 =	simm.s32 @p1 $0x1  }
0x15: {  	[smem:$0x3FAC] =	sst s0;
	s0 =	simm.s32 @!p2 $0x0  }
0x16: {  	s3 =	sld [smem:$0x3FDB];
	s0 =	simm.s32 @p2 $0x1  }
0x17: {  	s4 =	simm.s32 $0x1BF5;
	[smem:$0x3FAE] =	sst s0  }
0x18: {  	s0 =	sld [smem:$0x3F91];
	_ =	swait.ge [sflag:s4], $0x0  }
0x19: {  	s7 =	sld [smem:$0x3F92]  }
0x1a: {  	s8 =	sadd.s32 $0xFFFFE003, lr  }
0x1b: {  	s9 =	sadd.s32 $0xFFFFFEF7, lr;
	s5 =	simm.s32 $0xFFFFFFFF;
	p2 =	slt.u32 s8, $0xFFFFF086  }
0x1c: {  	p1 =	slt.u32 s9, $0xF7A;
	s5 =	simm.s32 @!p2 $0x0  }
0x1d: {  	s5 =	simm.s32 @p1 $0x1;
	p0 =	seq.s32 s7, s2  }
0x1e: {  	s7 =	smul.u32 @!p0 $0xF7A, s2;
	p2 =	seq.s32 @!p0 s5, $0x0  }
0x1f: {  	s9 =	smul.u32 $0xF7A, s1;
	s8 =	simm.s32 @!p0 $0x1BF5;
	p2 =	por !p2, p0  }
0x20: {  	[sflag:s8] =	ssyncset.s32 @!p0 $0xFFFFF086;
	s6 =	sadd.s32 @!p0 s3, s7;
	s7 =	simm.s32 @!p0 $0x108  }
0x21: {  	s3 =	sadd.s32 s3, s9;
	s6 =	sadd.s32 @!p0 $0x88, s6;
	s7 =	simm.s32 @p2 $0x1082  }
0x22: {  	[simem:s7], [sflag:s8] =	dma.local @!p0 [hbm:s6], $0xF7A  }
0x23: {  	s9 =	sor.u32 $0xD0000000, s2;
	s6 =	simm.s32 $0x108;
	_ =	swait.ge @!p0 [sflag:s8], $0x0  }
0x24: {  	s3 =	sadd.s32 $0x88, s3;
	s6 =	simm.s32 @!p1 $0x1082;
	[sflag:s4] =	ssyncset.s32 $0xFFFFF086  }
0x25: {  	[simem:s6], [sflag:s4] =	dma.local [hbm:s3], $0xF7A  }
0x26: {  	[smem:$0x3F92] =	sst s1;
	(tag) =	ssettag s2;
	_ =	strace s9  }
0x27: {  	s1 =	sld [smem:$0x3FA2]  }
0x28: {  	s2 =	sld [smem:$0x3FA3]  }
0x29: {  	s4 =	sld [smem:$0x3FA5]  }
0x2a: {  	p0 =	seq.s32 s5, $0x0;
	s5 =	sld [smem:$0x3FA6]  }
0x2b: {  	s6 =	sld [smem:$0x3FA7]  }
0x2c: {  	s7 =	sld [smem:$0x3FA8]  }
0x2d: {  	s3 =	simm.s32 $0x108;
	s8 =	sld [smem:$0x3FA9]  }
0x2e: {  	s3 =	simm.s32 @!p0 $0x1082;
	s9 =	sld [smem:$0x3FAA]  }
0x2f: {  	lr =	sadd.s32 s0, s3;
	s0 =	sld [smem:$0x3FA1]  }
0x30: {  	s3 =	sld [smem:$0x3FA4]  }
0x31: {  	[smem:$0x3FAD] =	sst s10  }
0x32: {  	s10 =	sld [smem:$0x3FAB];
	_ =	sdelay $0x3  }
0x33: {  	p0 =	seq.s32 s10, $0x1;
	s10 =	sld [smem:$0x3FAD];
	_ =	sdelay $0x3  }
0x34: {  	[smem:$0x3FAD] =	sst s10  }
0x35: {  	s10 =	sld [smem:$0x3FAC];
	_ =	sdelay $0x3  }
0x36: {  	p1 =	seq.s32 s10, $0x1;
	s10 =	sld [smem:$0x3FAD];
	_ =	sdelay $0x3  }
0x37: {  	[smem:$0x3FAD] =	sst s10  }
0x38: {  	s10 =	sld [smem:$0x3FAE]  }
0x39: {  	_ = 	snop;
	(pc) =	sbr.ind lr, $3  }
0x3a: {  	_ = 	snop  }
0x3b: {  	_ = 	snop  }
0x3c: {  	p2 =	seq.s32 s10, $0x1;
	s10 =	sld [smem:$0x3FAD]  }
0x3d: {  	_ =	shalt  }
0x3e: {  	_ =	shalt  }
0x3f: {  	_ =	shalt  }
0x40: {  	_ =	shalt  }
0x41: {  	_ =	shalt  }
0x42: {  	_ =	shalt  }
0x43: {  	_ =	shalt  }
0x44: {  	_ =	shalt  }
0x45: {  	_ =	shalt  }
0x46: {  	_ =	shalt  }
0x47: {  	_ =	shalt  }
0x48: {  	_ =	shalt  }
0x49: {  	_ =	shalt  }
0x4a: {  	_ =	shalt  }
0x4b: {  	_ =	shalt  }
0x4c: {  	_ =	shalt  }
0x4d: {  	_ =	shalt  }
0x4e: {  	_ =	shalt  }
0x4f: {  	_ =	shalt  }
0x50: {  	_ =	shalt  }
0x51: {  	_ =	shalt  }
0x52: {  	_ =	shalt  }
0x53: {  	_ =	shalt  }
0x54: {  	_ =	shalt  }
0x55: {  	_ =	shalt  }
0x56: {  	_ =	shalt  }
0x57: {  	_ =	shalt  }
0x58: {  	_ =	shalt  }
0x59: {  	_ =	shalt  }
0x5a: {  	_ =	shalt  }
0x5b: {  	_ =	shalt  }
0x5c: {  	_ =	shalt  }
0x5d: {  	_ =	shalt  }
0x5e: {  	_ =	shalt  }
0x5f: {  	_ =	shalt  }
0x60: {  	_ =	shalt  }
0x61: {  	_ =	shalt  }
0x62: {  	_ =	shalt  }
0x63: {  	_ =	shalt  }
0x64: {  	_ =	shalt  }
0x65: {  	_ =	shalt  }
0x66: {  	_ =	shalt  }
0x67: {  	_ =	shalt  }
0x68: {  	_ =	shalt  }
0x69: {  	_ =	shalt  }
0x6a: {  	_ =	shalt  }
0x6b: {  	_ =	shalt  }
0x6c: {  	_ =	shalt  }
0x6d: {  	_ =	shalt  }
0x6e: {  	_ =	shalt  }
0x6f: {  	_ =	shalt  }
0x70: {  	_ =	shalt  }
0x71: {  	_ =	shalt  }
0x72: {  	_ =	shalt  }
0x73: {  	_ =	shalt  }
0x74: {  	_ =	shalt  }
0x75: {  	_ =	shalt  }
0x76: {  	_ =	shalt  }
0x77: {  	_ =	shalt  }
0x78: {  	_ =	shalt  }
0x79: {  	_ =	shalt  }
0x7a: {  	_ =	shalt  }
0x7b: {  	_ =	shalt  }
0x7c: {  	_ =	shalt  }
0x7d: {  	_ =	shalt  }
0x7e: {  	_ =	shalt  }
0x7f: {  	_ =	shalt  }
0x80: {  	_ =	shalt  }
0x81: {  	_ =	shalt  }
0x82: {  	_ =	shalt  }
0x83: {  	_ =	shalt  }
0x84: {  	_ =	shalt  }
0x85: {  	_ =	shalt  }
0x86: {  	_ =	shalt  }
0x87: {  	_ =	shalt  }
.Lfunc_end0:
.L_simem_size_0:
called_computation.1_lowered:
.L_overlay_start_0:
0x88: {  	s0 =	sld [smem:$0x3FD9]  }
0x89: {  	s1 =	sld [smem:$0x3FFE];
	_ =	sdelay $0x3  }
0x8a: {  	s0 =	sadd.s32 s1, s0  }
0x8b: {  	[smem:$0x3FB9] =	sst s0  }
0x8c: {  	_ = 	snop  }
0x8d: {  	s0 =	sld [smem:$0x3FBC];
	(tm) =	ssettm $0x1  }
0x8e: {  	s16 =	sld [smem:$0x3FFB];
	_ =	sdelay $0x3  }
0x8f: {  	_ =	strace s16  }
0x90: {  	s1 =	sld [smem:$0x3FFC];
	_ =	sdelay $0x3  }
0x91: {  	_ =	strace s1  }
0x92: {  	s1 =	sld [smem:$0x3FFD];
	_ =	sdelay $0x3  }
0x93: {  	_ =	strace s1  }
0x94: {  	_ =	strace $0x8FFFFFFF  }
0x95: {  	s17 =	sld [smem:$0x3FDB];
	_ =	sdelay $0x1  }
0x96: {  	s2 =	simm.s32 $_scs_section_size  }
0x97: {  	s3 =	simm.s32 $_size__tile_overlayer_lowered;
	s4 =	simm.s32 $_tile_overlayer_lowered  }
0x98: {  	s20 =	simm.s32 $0x1BFF;
	s19 =	sshll.u32 s4, $0x1;
	s1 =	sadd.s32 s2, s17  }
0x99: {  	s5 =	simm.s32 $0x0;
	s18 =	sshll.u32 s3, $0x1;
	s3 =	sadd.s32 s19, s1  }
0x9a: {  	[timem:s5], [sflag:s20] =	dma.local [hbm:s3], s18  }
0x9b: {  	_ =	swait.ge [sflag:s20], s18  }
0x9c: {  	s2 =	ssub.s32 $0x0, s18;
	[sflag:s20] =	ssyncset.done $0x0  }
0x9d: {  	[sflag:s20] =	ssyncadd.s32 s2;
	_ =	sdelay $0x1  }
0x9e: {  	s21 =	simm.s32 $0x1B8B  }
0x9f: {  	_ =	swait.ge [sflag:s21], $0x1  }
0xa0: {  	[sflag:s21] =	ssyncset.done $0x0  }
0xa1: {  	s23 =	simm.s32 $0x1B8E;
	s22 =	sld [smem:$0x3FFE];
	[sflag:s21] =	ssyncadd.s32 $0xFFFFFFFF  }
0xa2: {  	s24 =	simm.s32 $execute0_lowered;
	[smem:$0x3FD2] =	sst s23  }
0xa3: {  	s3 =	sshll.u32 s24, $0x1;
	_ =	strace $0x80000049;
	[dreg:$0x1] =	wrdreg $0xFFFFFFFF  }
0xa4: {  	s25 =	simm.s32 $_size_execute0_lowered;
	s1 =	sadd.s32 s1, s3;
	[dreg:$0x0] =	wrdreg $0x0  }
0xa5: {  	s3 =	sshll.u32 s25, $0x1;
	[dreg:$0x2] =	wrdreg s1  }
0xa6: {  	[dreg:$0x3] =	wrdreg s3  }
0xa7: {  	[dreg:$0x4] =	wrdreg $0xC0  }
0xa8: {  	_ =	task [dreg:s5], $0x5FFFF  }
0xa9: {  	[dreg:$0x1] =	wrdreg $0xFFFFFFFF  }
0xaa: {  	[dreg:$0x0] =	wrdreg $0x60  }
0xab: {  	[dreg:$0x2] =	wrdreg s22  }
0xac: {  	[dreg:$0x3] =	wrdreg s0  }
0xad: {  	[dreg:$0x4] =	wrdreg $0x0  }
0xae: {  	[dreg:$0x5] =	wrdreg $0xC3500  }
0xaf: {  	[dreg:$0x6] =	wrdreg $0x186A00  }
0xb0: {  	[dreg:$0x7] =	wrdreg $0xA  }
0xb1: {  	_ =	task.clear_ibuf [dreg:s5], $0x8FFFF;
	_ =	strace $0x90000049  }
0xb2: {  	s26 =	simm.s32 $0xA;
	_ =	strace $0x8000004B  }
0xb3: {  	_ =	swait.ge [sflag:s26], $0x1  }
0xb4: {  	[sflag:s26] =	ssyncadd.s32 $0xFFFFFFFF  }
0xb5: {  	_ =	strace $0x9000004B  }
0xb6: {  	_ =	sfence  }
0xb7: {  	s28 =	sld [smem:$0x0];
	_ =	sdelay $0x1  }
0xb8: {  	s29 =	srdreg.scid  }
0xb9: {  	s30 =	sshll.u32 s29, $0xD;
	s31 =	sshrl.u32 s29, $0x2  }
0xba: {  	s2 =	sand.u32 $0x4000, s30;
	s1 =	sand.u32 $0x1, s29;
	s0 =	sadd.s32 s31, s28  }
0xbb: {  	s1 =	sor.u32 s2, s1;
	s0 =	sshll.u32 s0, $0x11  }
0xbc: {  	s0 =	sor.u32 s0, s1  }
0xbd: {  	s0 =	sadd.s32 $0x8F2B, s0  }
0xbe: {  	[sflag:s0] =	ssyncadd.remote.s32 $0x1  }
0xbf: {  	_ =	sfence.sel $0xFFFF  }
0xc0: {  	[dreg:$0x0] =	wrdreg $0xFFFFFFFF;
	(pc) =	sbr.abs _section_cstart, $3  }
0xc1: {  	[dreg:$0x1] =	wrdreg $0xFFFFFFFF  }
0xc2: {  	_ =	task.clear_ibuf [dreg:s5], $0x2FFFF;
	_ =	strace $0x9FFFFFFF  }
0xc3: {  	(tm) =	ssettm $0x7FFFFFFF  }
tec
execute0_lowered:
.L_overlay_start_1:
0x0: {  	(tag) =	ssettag $0x1  }
0x1: {  	s7 =	rddreg [dreg:$0x0]  }
0x2: {  	s12 =	rddreg [dreg:$0x1]  }
0x3: {  	s13 =	rddreg [dreg:$0x2]  }
0x4: {  	s1 =	rddreg [dreg:$0x3]  }
0x5: {  	s10 =	stileid.u32;
	s9 =	rddreg [dreg:$0x4]  }
0x6: {  	s0 =	rddreg [dreg:$0x5];
	s11 =	simm.s32 $0x0;
	s4 =	smul.u32 $0xC350, s10  }
0x7: {  	[smem:$0x7FF] =	sst s11;
	s6 =	sadd.s32 $0x365600, s7;
	s2 =	sshll.u32 s10, $0x6  }
0x8: {  	s14 =	smul.u32 $0x61A8, s10;
	_ =	strace $0x8000004A;
	s3 =	sor.u32 $0x1C01, s2  }
0x9: {  	s24 =	sor.u32 $0x1C04, s2;
	s25 =	sor.u32 $0x1C05, s2;
	s5 =	sshrl.u32 s4, $0x3  }
0xa: {  	s15 =	sadd.s32 s4, s13;
	s17 =	sadd.s32 s4, s1;
	s19 =	sadd.s32 s14, s9  }
0xb: {  	s14 =	sshrl.u32 s14, $0x3;
	s8 =	sadd.s32 s5, s7;
	s18 =	sadd.s32 s6, s5  }
0xc: {  	s4 =	sshrl.u32 s15, $0x3;
	s5 =	sshrl.u32 s17, $0x3;
	s14 =	sadd.s32 s6, s14  }
0xd: {  	s26 =	sshrl.u32 s19, $0x3;
	s15 =	simm.s32 $0x1;
	s16 =	sadd.s32 $0x37DE00, s8  }
0xe: {  	[spmem:s4], [sflag:s3] =	dma.local [hbm:s16], $0x186A  }
0xf: {  	[spmem:s5], [sflag:s24] =	dma.local [hbm:s18], $0x186A  }
0x10: {  	[spmem:s26], [sflag:s25] =	dma.local [hbm:s14], $0xC35  }
0x11: {  	p0 =	sne.s32 s10, $0x0;
	_ =	swait.ge [sflag:s15], $0x186A  }
0x12: {  	s6 =	sadd.s32 @!p0 $0xC350, s6;
	s14 =	sadd.s32 @!p0 $0x61A80, s9;
	[sflag:s15] =	ssyncset.done $0x0  }
0x13: {  	s16 =	simm.s32 @!p0 $0x1C06;
	s14 =	sshrl.u32 @!p0 s14, $0x3;
	[sflag:s15] =	ssyncadd.s32 $0xFFFFE796  }
0x14: {  	[spmem:s14], [sflag:s16] =	dma.local @!p0 [hbm:s6], $0x1  }
0x15: {  	s6 =	simm.s32 @!p0 $0x6  }
0x16: {  	s16 =	smul.u32 $0xC35, s10;
	_ =	swait.ge @!p0 [sflag:s6], $0x1  }
0x17: {  	s28 =	sadd.s32 $0x34CE00, s7;
	s29 =	sadd.s32 $0x359200, s7;
	[sflag:s6] =	ssyncset.done @!p0 $0x0  }
0x18: {  	s17 =	simm.s32 $0x1E850;
	[sflag:s6] =	ssyncadd.s32 @!p0 $0xFFFFFFFF;
	s6 =	sadd.s32 s16, s28  }
0x19: {  	s14 =	sadd.s32 s16, s29;
	[bflag:$0x0] =	sbarrier.arrive $0xFFFF;
	s30 =	sadd.s32 $0x0, s6  }
0x1a: {  	[tilespmem:s17], [sflag:$0x1] =	stream.linear.gather [hbm4b:s30+s11], $0x3E8, $0x38;
	v63 =	vld [tilespmem:$0x0]  }
0x1b: {  	s18 =	simm.s32 $0x1F020;
	s31 =	sadd.s32 $0x0, s14  }
0x1c: {  	[tilespmem:s18], [sflag:$0x2] =	stream.linear.gather [hbm4b:s31+s11], $0x3E8, $0x38;
	v63 =	vld [tilespmem:$0x0]  }
0x1d: {  	_ =	swait.ge [sflag:s15], $0x3E8  }
0x1e: {  	[sflag:s15] =	ssyncset.done $0x0  }
0x1f: {  	s20 =	simm.s32 $0x2;
	[sflag:s15] =	ssyncadd.s32 $0xFFFFFC18  }
0x20: {  	_ =	swait.ge [sflag:s20], $0x3E8  }
0x21: {  	s22 =	simm.s32 $0x3E8;
	[sflag:s20] =	ssyncset.done $0x0  }
0x22: {  	s21 =	simm.s32 $0x6;
	s19 =	sadd.s32 $0x340A00, s7;
	[sflag:s20] =	ssyncadd.s32 $0xFFFFFC18  }
0x23: {  	[spmem:s13] =	stream.indirect.scatter [tilespmem:s18], [sflag:$0x6], $0x1, s17, s22, $0xb8;
	v63 =	vld [tilespmem:$0x0]  }
0x24: {  	s23 =	simm.s32 $0x7D;
	s7 =	sadd.s32 $0x396600, s8;
	_ =	swait.ge [sflag:s21], $0x3E8  }
0x25: {  	s8 =	sadd.s32 $0x3AEE00, s8;
	s24 =	simm.s32 $0xFA;
	[sflag:s21] =	ssyncset.done $0x0  }
.LBB2_1:
0x26: {  	s25 =	sadd.s32 s23, s6  }
0x27: {  	[sflag:s21] =	ssyncadd.s32 $0xFFFFFC18;
	s26 =	smov.u32 s24;
	s28 =	sadd.s32 $0x7D, s24  }
0x28: {  	[tilespmem:s17], [sflag:$0x1] =	stream.linear.gather [hbm4b:s25+s11], $0x3E8, $0x38;
	v63 =	vld [tilespmem:$0x0]  }
0x29: {  	p1 =	sne.s32 s24, $0xBB8;
	s24 =	sadd.s32 s23, s14;
	s23 =	smov.u32 s26  }
0x2a: {  	[tilespmem:s18], [sflag:$0x2] =	stream.linear.gather [hbm4b:s24+s11], $0x3E8, $0x38;
	v63 =	vld [tilespmem:$0x0]  }
0x2b: {  	_ =	swait.ge [sflag:s15], $0x3E8  }
0x2c: {  	[sflag:s15] =	ssyncset.done $0x0  }
0x2d: {  	[sflag:s15] =	ssyncadd.s32 $0xFFFFFC18  }
0x2e: {  	_ =	swait.ge [sflag:s20], $0x3E8  }
.Ltmp0:
0x2f: {  	[sflag:s20] =	ssyncset.done $0x0;
	(pc) =	sbr.rel @p1 .LBB2_1-.Ltmp0, $4  }
0x30: {  	[sflag:s20] =	ssyncadd.s32 $0xFFFFFC18  }
0x31: {  	[spmem:s13] =	stream.indirect.scatter [tilespmem:s18], [sflag:$0x6], $0x1, s17, s22, $0xb8;
	v63 =	vld [tilespmem:$0x0]  }
0x32: {  	_ =	swait.ge [sflag:s21], $0x3E8  }
0x33: {  	s24 =	smov.u32 s28;
	[sflag:s21] =	ssyncset.done $0x0  }
0x34: {  	s24 =	sadd.s32 s23, s6;
	[sflag:s21] =	ssyncadd.s32 $0xFFFFFC18  }
0x35: {  	[tilespmem:s17], [sflag:$0x1] =	stream.linear.gather [hbm4b:s24+s11], $0x3E8, $0x38;
	v63 =	vld [tilespmem:$0x0]  }
0x36: {  	s30 =	sadd.s32 s23, s14  }
0x37: {  	[tilespmem:s18], [sflag:$0x2] =	stream.linear.gather [hbm4b:s30+s11], $0x3E8, $0x38;
	v63 =	vld [tilespmem:$0x0]  }
0x38: {  	_ =	swait.ge [sflag:s15], $0x3E8  }
0x39: {  	[sflag:s15] =	ssyncset.done $0x0  }
0x3a: {  	[sflag:s15] =	ssyncadd.s32 $0xFFFFFC18  }
0x3b: {  	_ =	swait.ge [sflag:s20], $0x3E8  }
0x3c: {  	[sflag:s20] =	ssyncset.done $0x0  }
0x3d: {  	[sflag:s20] =	ssyncadd.s32 $0xFFFFFC18  }
0x3e: {  	[spmem:s13] =	stream.indirect.scatter [tilespmem:s18], [sflag:$0x6], $0x1, s17, s22, $0xb8;
	v63 =	vld [tilespmem:$0x0]  }
0x3f: {  	_ =	swait.ge [sflag:s21], $0x3E8  }
0x40: {  	s11 =	sadd.s32 s16, s19;
	[sflag:s21] =	ssyncset.done $0x0  }
0x41: {  	s16 =	sadd.s32 $0x0, s11;
	[sflag:s21] =	ssyncadd.s32 $0xFFFFFC18  }
0x42: {  	s15 =	simm.s32 $0x1E850;
	s17 =	simm.s32 $0x0;
	[bflag:$0x0] =	sbarrier.arrive $0xFFFF  }
0x43: {  	[tilespmem:s15], [sflag:$0x1] =	stream.linear.gather [hbm4b:s16+s17], $0x3E8, $0x38;
	v63 =	vld [tilespmem:$0x0]  }
0x44: {  	s31 =	sadd.s32 $0x0, s14;
	s18 =	simm.s32 $0x1;
	s16 =	simm.s32 $0x1F020  }
0x45: {  	[tilespmem:s16], [sflag:$0x2] =	stream.linear.gather [hbm4b:s31+s17], $0x3E8, $0x38;
	v63 =	vld [tilespmem:$0x0]  }
0x46: {  	_ =	swait.ge [sflag:s18], $0x3E8  }
0x47: {  	[sflag:s18] =	ssyncset.done $0x0  }
0x48: {  	s19 =	simm.s32 $0x2;
	[sflag:s18] =	ssyncadd.s32 $0xFFFFFC18  }
0x49: {  	_ =	swait.ge [sflag:s19], $0x3E8  }
0x4a: {  	[sflag:s19] =	ssyncset.done $0x0  }
0x4b: {  	s20 =	simm.s32 $0x6;
	s21 =	simm.s32 $0x3E8;
	[sflag:s19] =	ssyncadd.s32 $0xFFFFFC18  }
0x4c: {  	[spmem:s13] =	stream.indirect.scatter [tilespmem:s16], [sflag:$0x6], $0x1, s15, s21, $0xb8;
	v63 =	vld [tilespmem:$0x0]  }
0x4d: {  	_ =	swait.ge [sflag:s20], $0x3E8  }
0x4e: {  	s23 =	simm.s32 $0xFA;
	s22 =	simm.s32 $0x7D;
	[sflag:s20] =	ssyncset.done $0x0  }
.LBB2_3:
0x4f: {  	s24 =	sadd.s32 s22, s11  }
0x50: {  	[sflag:s20] =	ssyncadd.s32 $0xFFFFFC18;
	s25 =	smov.u32 s23;
	s26 =	sadd.s32 $0x7D, s23  }
0x51: {  	[tilespmem:s15], [sflag:$0x1] =	stream.linear.gather [hbm4b:s24+s17], $0x3E8, $0x38;
	v63 =	vld [tilespmem:$0x0]  }
0x52: {  	p1 =	sne.s32 s23, $0xBB8;
	s23 =	sadd.s32 s22, s14;
	s22 =	smov.u32 s25  }
0x53: {  	[tilespmem:s16], [sflag:$0x2] =	stream.linear.gather [hbm4b:s23+s17], $0x3E8, $0x38;
	v63 =	vld [tilespmem:$0x0]  }
0x54: {  	_ =	swait.ge [sflag:s18], $0x3E8  }
0x55: {  	[sflag:s18] =	ssyncset.done $0x0  }
0x56: {  	[sflag:s18] =	ssyncadd.s32 $0xFFFFFC18  }
0x57: {  	_ =	swait.ge [sflag:s19], $0x3E8  }
.Ltmp1:
0x58: {  	[sflag:s19] =	ssyncset.done $0x0;
	(pc) =	sbr.rel @p1 .LBB2_3-.Ltmp1, $4  }
0x59: {  	[sflag:s19] =	ssyncadd.s32 $0xFFFFFC18  }
0x5a: {  	[spmem:s13] =	stream.indirect.scatter [tilespmem:s16], [sflag:$0x6], $0x1, s15, s21, $0xb8;
	v63 =	vld [tilespmem:$0x0]  }
0x5b: {  	_ =	swait.ge [sflag:s20], $0x3E8  }
0x5c: {  	s23 =	smov.u32 s26;
	[sflag:s20] =	ssyncset.done $0x0  }
0x5d: {  	s23 =	sadd.s32 s22, s11;
	[sflag:s20] =	ssyncadd.s32 $0xFFFFFC18  }
0x5e: {  	[tilespmem:s15], [sflag:$0x1] =	stream.linear.gather [hbm4b:s23+s17], $0x3E8, $0x38;
	v63 =	vld [tilespmem:$0x0]  }
0x5f: {  	s14 =	sadd.s32 s22, s14  }
0x60: {  	[tilespmem:s16], [sflag:$0x2] =	stream.linear.gather [hbm4b:s14+s17], $0x3E8, $0x38;
	v63 =	vld [tilespmem:$0x0]  }
0x61: {  	_ =	swait.ge [sflag:s18], $0x3E8  }
0x62: {  	[sflag:s18] =	ssyncset.done $0x0  }
0x63: {  	[sflag:s18] =	ssyncadd.s32 $0xFFFFFC18  }
0x64: {  	_ =	swait.ge [sflag:s19], $0x3E8  }
0x65: {  	[sflag:s19] =	ssyncset.done $0x0  }
0x66: {  	[sflag:s19] =	ssyncadd.s32 $0xFFFFFC18  }
0x67: {  	[spmem:s13] =	stream.indirect.scatter [tilespmem:s16], [sflag:$0x6], $0x1, s15, s21, $0xb8;
	v63 =	vld [tilespmem:$0x0]  }
0x68: {  	_ =	swait.ge [sflag:s20], $0x3E8  }
0x69: {  	[sflag:s20] =	ssyncset.done $0x0  }
0x6a: {  	s26 =	simm.s32 $0x5;
	s28 =	smul.u32 $0x30D40, s10;
	[sflag:s20] =	ssyncadd.s32 $0xFFFFFC18  }
0x6b: {  	s30 =	smul.u32 $0x186A, s10;
	_ =	swait.ge [sflag:s26], $0xC35  }
0x6c: {  	s29 =	sshrl.u32 s28, $0x2;
	[sflag:s26] =	ssyncset.done $0x0  }
0x6d: {  	s12 =	sadd.s32 s30, s12;
	s14 =	simm.s32 $0x0;
	[sflag:s26] =	ssyncadd.s32 $0xFFFFF3CB  }
0x6e: {  	s13 =	sadd.s32 s29, s13;
	s15 =	simm.s32 $0x1E850;
	[bflag:$0x0] =	sbarrier.arrive $0xFFFF  }
0x6f: {  	[tilespmem:s15], [sflag:$0x1] =	stream.linear.gather [spmem:s13], $0x7D0, $0x38;
	v63 =	vld [tilespmem:$0x0]  }
0x70: {  	s17 =	simm.s32 $0x1;
	s31 =	sadd.s32 $0x0, s12;
	s16 =	simm.s32 $0x1F7F0  }
0x71: {  	[tilespmem:s16], [sflag:$0x2] =	stream.linear.gather [hbm4b:s31+s14], $0x7D0, $0x38;
	v63 =	vld [tilespmem:$0x0]  }
0x72: {  	_ =	swait.ge [sflag:s17], $0x7D0  }
0x73: {  	[sflag:s17] =	ssyncset.done $0x0  }
0x74: {  	s18 =	simm.s32 $0x2;
	[sflag:s17] =	ssyncadd.s32 $0xFFFFF830  }
0x75: {  	_ =	swait.ge [sflag:s18], $0x7D0  }
0x76: {  	[sflag:s18] =	ssyncset.done $0x0  }
0x77: {  	s19 =	simm.s32 $0x6;
	s20 =	simm.s32 $0x7D0;
	[sflag:s18] =	ssyncadd.s32 $0xFFFFF830  }
0x78: {  	[spmem:s9] =	stream.indirect.scatter.add.f32 [tilespmem:s16], [sflag:$0x6], $0x1, s15, s20, $0xb8;
	v63 =	vld [tilespmem:$0x0]  }
0x79: {  	_ =	swait.ge [sflag:s19], $0x7D0  }
0x7a: {  	s21 =	simm.s32 $0xFA;
	[sflag:s19] =	ssyncset.done $0x0  }
.LBB2_5:
0x7b: {  	p1 =	sne.s32 s21, $0x1770;
	[sflag:s19] =	ssyncadd.s32 $0xFFFFF830;
	s13 =	sadd.s32 $0x7D0, s13  }
0x7c: {  	[tilespmem:s15], [sflag:$0x1] =	stream.linear.gather [spmem:s13], $0x7D0, $0x38;
	v63 =	vld [tilespmem:$0x0]  }
0x7d: {  	s22 =	sadd.s32 s21, s12;
	s21 =	sadd.s32 $0xFA, s21  }
0x7e: {  	[tilespmem:s16], [sflag:$0x2] =	stream.linear.gather [hbm4b:s22+s14], $0x7D0, $0x38;
	v63 =	vld [tilespmem:$0x0]  }
0x7f: {  	_ =	swait.ge [sflag:s17], $0x7D0  }
0x80: {  	[sflag:s17] =	ssyncset.done $0x0  }
0x81: {  	[sflag:s17] =	ssyncadd.s32 $0xFFFFF830  }
0x82: {  	_ =	swait.ge [sflag:s18], $0x7D0  }
.Ltmp2:
0x83: {  	[sflag:s18] =	ssyncset.done $0x0;
	(pc) =	sbr.rel @p1 .LBB2_5-.Ltmp2, $4  }
0x84: {  	[sflag:s18] =	ssyncadd.s32 $0xFFFFF830  }
0x85: {  	[spmem:s9] =	stream.indirect.scatter.add.f32 [tilespmem:s16], [sflag:$0x6], $0x1, s15, s20, $0xb8;
	v63 =	vld [tilespmem:$0x0]  }
0x86: {  	_ =	swait.ge [sflag:s19], $0x7D0  }
0x87: {  	[sflag:s19] =	ssyncset.done $0x0  }
0x88: {  	[sflag:s19] =	ssyncadd.s32 $0xFFFFF830;
	s12 =	simm.s32 $0x4;
	s10 =	smul.u32 $0x186A0, s10  }
0x89: {  	_ =	swait.ge [sflag:s12], $0x186A  }
0x8a: {  	[sflag:s12] =	ssyncset.done $0x0;
	s10 =	sshrl.u32 s10, $0x2  }
0x8b: {  	[sflag:s12] =	ssyncadd.s32 $0xFFFFE796;
	s9 =	sadd.s32 s9, s10  }
0x8c: {  	s10 =	simm.s32 $0x1F7F0;
	[bflag:$0x0] =	sbarrier.arrive $0xFFFF;
	s9 =	sadd.s32 $0x8, s9  }
0x8d: {  	[tilespmem:s10], [sflag:$0x1] =	stream.linear.gather [spmem:s9], $0x3E8, $0x38;
	v63 =	vld [tilespmem:$0x0]  }
0x8e: {  	s13 =	simm.s32 $0x1E850;
	s14 =	sadd.s32 $0x0, s6;
	s12 =	simm.s32 $0x0  }
0x8f: {  	[tilespmem:s13], [sflag:$0x2] =	stream.linear.gather [hbm4b:s14+s12], $0x3E8, $0x38;
	v63 =	vld [tilespmem:$0x0]  }
0x90: {  	s15 =	simm.s32 $0x1;
	s16 =	sadd.s32 $0x0, s11;
	s14 =	simm.s32 $0x1F020  }
0x91: {  	[tilespmem:s14], [sflag:$0x3] =	stream.linear.gather [hbm4b:s16+s12], $0x3E8, $0x38;
	v63 =	vld [tilespmem:$0x0]  }
0x92: {  	_ =	swait.ge [sflag:s15], $0x3E8  }
0x93: {  	[sflag:s15] =	ssyncset.done $0x0  }
0x94: {  	s16 =	simm.s32 $0x2;
	[sflag:s15] =	ssyncadd.s32 $0xFFFFFC18  }
0x95: {  	_ =	swait.ge [sflag:s16], $0x3E8  }
0x96: {  	[sflag:s16] =	ssyncset.done $0x0  }
0x97: {  	s17 =	simm.s32 $0x3;
	[sflag:s16] =	ssyncadd.s32 $0xFFFFFC18  }
0x98: {  	_ =	swait.ge [sflag:s17], $0x3E8  }
0x99: {  	[sflag:s17] =	ssyncset.done $0x0  }
0x9a: {  	s18 =	simm.s32 $0x3E8;
	[sflag:s17] =	ssyncadd.s32 $0xFFFFFC18  }
0x9b: {  	[spmem:s1] =	stream.indirect.scatter.add.f32 [tilespmem:s10], [sflag:$0x1], $0x1, s13, s18, $0xb8;
	v63 =	vld [tilespmem:$0x0]  }
0x9c: {  	_ = 	snop  }
0x9d: {  	[spmem:s1] =	stream.indirect.scatter.add.f32 [tilespmem:s10], [sflag:$0x2], $0x1, s14, s18, $0xb8;
	v63 =	vld [tilespmem:$0x0]  }
0x9e: {  	_ =	swait.ge [sflag:s15], $0x3E8  }
0x9f: {  	[sflag:s15] =	ssyncset.done $0x0  }
0xa0: {  	[sflag:s15] =	ssyncadd.s32 $0xFFFFFC18  }
0xa1: {  	_ =	swait.ge [sflag:s16], $0x3E8  }
0xa2: {  	s19 =	simm.s32 $0x7D;
	[sflag:s16] =	ssyncset.done $0x0  }
.LBB2_7:
0xa3: {  	p1 =	sne.s32 s19, $0xBB8;
	[sflag:s16] =	ssyncadd.s32 $0xFFFFFC18;
	s9 =	sadd.s32 $0x3E8, s9  }
0xa4: {  	[tilespmem:s10], [sflag:$0x1] =	stream.linear.gather [spmem:s9], $0x3E8, $0x38;
	v63 =	vld [tilespmem:$0x0]  }
0xa5: {  	s20 =	sadd.s32 s19, s6;
	s21 =	smov.u32 s19;
	s19 =	sadd.s32 $0x7D, s19  }
0xa6: {  	[tilespmem:s13], [sflag:$0x2] =	stream.linear.gather [hbm4b:s20+s12], $0x3E8, $0x38;
	v63 =	vld [tilespmem:$0x0]  }
0xa7: {  	s20 =	sadd.s32 s21, s11  }
0xa8: {  	[tilespmem:s14], [sflag:$0x3] =	stream.linear.gather [hbm4b:s20+s12], $0x3E8, $0x38;
	v63 =	vld [tilespmem:$0x0]  }
0xa9: {  	_ =	swait.ge [sflag:s15], $0x3E8  }
0xaa: {  	[sflag:s15] =	ssyncset.done $0x0  }
0xab: {  	[sflag:s15] =	ssyncadd.s32 $0xFFFFFC18  }
0xac: {  	_ =	swait.ge [sflag:s16], $0x3E8  }
0xad: {  	[sflag:s16] =	ssyncset.done $0x0  }
0xae: {  	[sflag:s16] =	ssyncadd.s32 $0xFFFFFC18  }
0xaf: {  	_ =	swait.ge [sflag:s17], $0x3E8  }
0xb0: {  	[sflag:s17] =	ssyncset.done $0x0  }
0xb1: {  	[sflag:s17] =	ssyncadd.s32 $0xFFFFFC18  }
0xb2: {  	[spmem:s1] =	stream.indirect.scatter.add.f32 [tilespmem:s10], [sflag:$0x1], $0x1, s13, s18, $0xb8;
	v63 =	vld [tilespmem:$0x0]  }
0xb3: {  	_ = 	snop  }
0xb4: {  	[spmem:s1] =	stream.indirect.scatter.add.f32 [tilespmem:s10], [sflag:$0x2], $0x1, s14, s18, $0xb8;
	v63 =	vld [tilespmem:$0x0]  }
.Ltmp3:
0xb5: {  	_ =	swait.ge [sflag:s15], $0x3E8;
	(pc) =	sbr.rel @p1 .LBB2_7-.Ltmp3, $4  }
0xb6: {  	[sflag:s15] =	ssyncset.done $0x0  }
0xb7: {  	[sflag:s15] =	ssyncadd.s32 $0xFFFFFC18  }
0xb8: {  	_ =	swait.ge [sflag:s16], $0x3E8  }
0xb9: {  	[sflag:s16] =	ssyncset.done $0x0  }
0xba: {  	[sflag:s16] =	ssyncadd.s32 $0xFFFFFC18  }
0xbb: {  	s1 =	sor.u32 $0x1C02, s2;
	s30 =	simm.s32 $0x1;
	[bflag:$0x0] =	sbarrier.arrive $0xFFFF  }
0xbc: {  	[hbm:s7], [sflag:s3] =	dma.local [spmem:s4], $0x186A  }
0xbd: {  	[hbm:s8], [sflag:s1] =	dma.local [spmem:s5], $0x186A  }
0xbe: {  	_ =	swait.ge [sflag:s30], $0x186A  }
0xbf: {  	[sflag:s30] =	ssyncset.done $0x0  }
0xc0: {  	s31 =	simm.s32 $0x2;
	[sflag:s30] =	ssyncadd.s32 $0xFFFFE796  }
0xc1: {  	_ =	swait.ge [sflag:s31], $0x186A  }
0xc2: {  	[sflag:s31] =	ssyncset.done $0x0  }
0xc3: {  	[sflag:s31] =	ssyncadd.s32 $0xFFFFE796  }
0xc4: {  	_ =	sfence.sel $0x180000  }
0xc5: {  	[bflag:$0x0] =	sbarrier.arrive $0xFFFF  }
0xc6: {  	_ =	strace $0x9000004A  }
0xc7: {  	s0 =	sadd.s32 @!p0 $0x100000, s0;
	[bflag:$0x2] =	sbarrier.arrive $0xFFFF  }
0xc8: {  	[sflag:s0] =	ssyncadd.tile.s32 @!p0 $0x1;
	_ =	shalt  }
.Lfunc_end2:
_tile_overlayer_lowered:
.L_overlay_start_2:
0xc9: {  	(tag) =	ssettag $0x2  }
0xca: {  	s0 =	rddreg [dreg:$0x0];
	s2 =	stileid.u32  }
0xcb: {  	s1 =	rddreg [dreg:$0x1];
	p0 =	sne.s32 s2, $0x0  }
0xcc: {  	s3 =	rddreg [dreg:$0x2];
	[bflag:$0x3] =	sbarrier.arrive $0xFFFF;
	s2 =	simm.s32 @!p0 $0x1C06  }
0xcd: {  	[timem:s3], [sflag:s2] =	dma.local @!p0 [hbm:s0], s1  }
0xce: {  	s0 =	simm.s32 @!p0 $0x6  }
0xcf: {  	_ =	swait.ge @!p0 [sflag:s0], s1  }
0xd0: {  	s1 =	ssub.s32 @!p0 $0x0, s1;
	[sflag:s0] =	ssyncset.done @!p0 $0x0  }
0xd1: {  	[sflag:s0] =	ssyncadd.s32 @!p0 s1  }
0xd2: {  	[bflag:$0x3] =	sbarrier.arrive $0xFFFF  }
0xd3: {  	_ =	shalt  }

// kernel: kernel.8.cloned.1.call-start
scs
__scs_entry_jumppad:
0x0: {  	(pc) =	sbr.rel $0x88, $3  }
0x1: {  	(tag) =	ssettag $0x0;
	lr =	simm.s32 $0x1  }
0x2: {  	[smem:$0x3F92] =	sst lr;
	_ =	strace $0xD0000000  }
0x3: {  	_ = 	snop  }
0x4: {  	_ = 	snop  }
0x5: {  	_ = 	snop  }
0x6: {  	_ = 	snop  }
0x7: {  	_ = 	snop  }
__scs_overlays_trampoline_lowered:
0x8: {  	[smem:$0x3FA1] =	sst s0  }
0x9: {  	[smem:$0x3FA2] =	sst s1  }
0xa: {  	[smem:$0x3FA3] =	sst s2  }
0xb: {  	[smem:$0x3FA4] =	sst s3  }
0xc: {  	[smem:$0x3FA5] =	sst s4  }
0xd: {  	[smem:$0x3FA6] =	sst s5  }
0xe: {  	[smem:$0x3FA7] =	sst s6  }
0xf: {  	[smem:$0x3FA8] =	sst s7  }
0x10: {  	[smem:$0x3FA9] =	sst s8  }
0x11: {  	[smem:$0x3FAA] =	sst s9;
	s0 =	simm.s32 @!p0 $0x0  }
0x12: {  	s1 =	sld [smem:$0x3F90];
	s0 =	simm.s32 @p0 $0x1  }
0x13: {  	[smem:$0x3FAB] =	sst s0;
	s0 =	simm.s32 @!p1 $0x0  }
0x14: {  	s2 =	sld [smem:$0x3F8F];
	s0 =	simm.s32 @p1 $0x1  }
0x15: {  	[smem:$0x3FAC] =	sst s0;
	s0 =	simm.s32 @!p2 $0x0  }
0x16: {  	s3 =	sld [smem:$0x3FDB];
	s0 =	simm.s32 @p2 $0x1  }
0x17: {  	s4 =	simm.s32 $0x1BF5;
	[smem:$0x3FAE] =	sst s0  }
0x18: {  	s0 =	sld [smem:$0x3F91];
	_ =	swait.ge [sflag:s4], $0x0  }
0x19: {  	s7 =	sld [smem:$0x3F92]  }
0x1a: {  	s8 =	sadd.s32 $0xFFFFE003, lr  }
0x1b: {  	s9 =	sadd.s32 $0xFFFFFEF7, lr;
	s5 =	simm.s32 $0xFFFFFFFF;
	p2 =	slt.u32 s8, $0xFFFFF086  }
0x1c: {  	p1 =	slt.u32 s9, $0xF7A;
	s5 =	simm.s32 @!p2 $0x0  }
0x1d: {  	s5 =	simm.s32 @p1 $0x1;
	p0 =	seq.s32 s7, s2  }
0x1e: {  	s7 =	smul.u32 @!p0 $0xF7A, s2;
	p2 =	seq.s32 @!p0 s5, $0x0  }
0x1f: {  	s9 =	smul.u32 $0xF7A, s1;
	s8 =	simm.s32 @!p0 $0x1BF5;
	p2 =	por !p2, p0  }
0x20: {  	[sflag:s8] =	ssyncset.s32 @!p0 $0xFFFFF086;
	s6 =	sadd.s32 @!p0 s3, s7;
	s7 =	simm.s32 @!p0 $0x108  }
0x21: {  	s3 =	sadd.s32 s3, s9;
	s6 =	sadd.s32 @!p0 $0x88, s6;
	s7 =	simm.s32 @p2 $0x1082  }
0x22: {  	[simem:s7], [sflag:s8] =	dma.local @!p0 [hbm:s6], $0xF7A  }
0x23: {  	s9 =	sor.u32 $0xD0000000, s2;
	s6 =	simm.s32 $0x108;
	_ =	swait.ge @!p0 [sflag:s8], $0x0  }
0x24: {  	s3 =	sadd.s32 $0x88, s3;
	s6 =	simm.s32 @!p1 $0x1082;
	[sflag:s4] =	ssyncset.s32 $0xFFFFF086  }
0x25: {  	[simem:s6], [sflag:s4] =	dma.local [hbm:s3], $0xF7A  }
0x26: {  	[smem:$0x3F92] =	sst s1;
	(tag) =	ssettag s2;
	_ =	strace s9  }
0x27: {  	s1 =	sld [smem:$0x3FA2]  }
0x28: {  	s2 =	sld [smem:$0x3FA3]  }
0x29: {  	s4 =	sld [smem:$0x3FA5]  }
0x2a: {  	p0 =	seq.s32 s5, $0x0;
	s5 =	sld [smem:$0x3FA6]  }
0x2b: {  	s6 =	sld [smem:$0x3FA7]  }
0x2c: {  	s7 =	sld [smem:$0x3FA8]  }
0x2d: {  	s3 =	simm.s32 $0x108;
	s8 =	sld [smem:$0x3FA9]  }
0x2e: {  	s3 =	simm.s32 @!p0 $0x1082;
	s9 =	sld [smem:$0x3FAA]  }
0x2f: {  	lr =	sadd.s32 s0, s3;
	s0 =	sld [smem:$0x3FA1]  }
0x30: {  	s3 =	sld [smem:$0x3FA4]  }
0x31: {  	[smem:$0x3FAD] =	sst s10  }
0x32: {  	s10 =	sld [smem:$0x3FAB];
	_ =	sdelay $0x3  }
0x33: {  	p0 =	seq.s32 s10, $0x1;
	s10 =	sld [smem:$0x3FAD];
	_ =	sdelay $0x3  }
0x34: {  	[smem:$0x3FAD] =	sst s10  }
0x35: {  	s10 =	sld [smem:$0x3FAC];
	_ =	sdelay $0x3  }
0x36: {  	p1 =	seq.s32 s10, $0x1;
	s10 =	sld [smem:$0x3FAD];
	_ =	sdelay $0x3  }
0x37: {  	[smem:$0x3FAD] =	sst s10  }
0x38: {  	s10 =	sld [smem:$0x3FAE]  }
0x39: {  	_ = 	snop;
	(pc) =	sbr.ind lr, $3  }
0x3a: {  	_ = 	snop  }
0x3b: {  	_ = 	snop  }
0x3c: {  	p2 =	seq.s32 s10, $0x1;
	s10 =	sld [smem:$0x3FAD]  }
0x3d: {  	_ =	shalt  }
0x3e: {  	_ =	shalt  }
0x3f: {  	_ =	shalt  }
0x40: {  	_ =	shalt  }
0x41: {  	_ =	shalt  }
0x42: {  	_ =	shalt  }
0x43: {  	_ =	shalt  }
0x44: {  	_ =	shalt  }
0x45: {  	_ =	shalt  }
0x46: {  	_ =	shalt  }
0x47: {  	_ =	shalt  }
0x48: {  	_ =	shalt  }
0x49: {  	_ =	shalt  }
0x4a: {  	_ =	shalt  }
0x4b: {  	_ =	shalt  }
0x4c: {  	_ =	shalt  }
0x4d: {  	_ =	shalt  }
0x4e: {  	_ =	shalt  }
0x4f: {  	_ =	shalt  }
0x50: {  	_ =	shalt  }
0x51: {  	_ =	shalt  }
0x52: {  	_ =	shalt  }
0x53: {  	_ =	shalt  }
0x54: {  	_ =	shalt  }
0x55: {  	_ =	shalt  }
0x56: {  	_ =	shalt  }
0x57: {  	_ =	shalt  }
0x58: {  	_ =	shalt  }
0x59: {  	_ =	shalt  }
0x5a: {  	_ =	shalt  }
0x5b: {  	_ =	shalt  }
0x5c: {  	_ =	shalt  }
0x5d: {  	_ =	shalt  }
0x5e: {  	_ =	shalt  }
0x5f: {  	_ =	shalt  }
0x60: {  	_ =	shalt  }
0x61: {  	_ =	shalt  }
0x62: {  	_ =	shalt  }
0x63: {  	_ =	shalt  }
0x64: {  	_ =	shalt  }
0x65: {  	_ =	shalt  }
0x66: {  	_ =	shalt  }
0x67: {  	_ =	shalt  }
0x68: {  	_ =	shalt  }
0x69: {  	_ =	shalt  }
0x6a: {  	_ =	shalt  }
0x6b: {  	_ =	shalt  }
0x6c: {  	_ =	shalt  }
0x6d: {  	_ =	shalt  }
0x6e: {  	_ =	shalt  }
0x6f: {  	_ =	shalt  }
0x70: {  	_ =	shalt  }
0x71: {  	_ =	shalt  }
0x72: {  	_ =	shalt  }
0x73: {  	_ =	shalt  }
0x74: {  	_ =	shalt  }
0x75: {  	_ =	shalt  }
0x76: {  	_ =	shalt  }
0x77: {  	_ =	shalt  }
0x78: {  	_ =	shalt  }
0x79: {  	_ =	shalt  }
0x7a: {  	_ =	shalt  }
0x7b: {  	_ =	shalt  }
0x7c: {  	_ =	shalt  }
0x7d: {  	_ =	shalt  }
0x7e: {  	_ =	shalt  }
0x7f: {  	_ =	shalt  }
0x80: {  	_ =	shalt  }
0x81: {  	_ =	shalt  }
0x82: {  	_ =	shalt  }
0x83: {  	_ =	shalt  }
0x84: {  	_ =	shalt  }
0x85: {  	_ =	shalt  }
0x86: {  	_ =	shalt  }
0x87: {  	_ =	shalt  }
.Lfunc_end0:
.L_simem_size_0:
called_computation_lowered:
.L_overlay_start_0:
0x88: {  	s2 =	sld [smem:$0x3FD9]  }
0x89: {  	s3 =	sld [smem:$0x3FFE];
	_ =	sdelay $0x1  }
0x8a: {  	s1 =	srdreg.scid  }
0x8b: {  	s0 =	sand.u32 $0x1, s1  }
0x8c: {  	s17 =	sshll.u32 s0, $0xA;
	s2 =	sadd.s32 s3, s2  }
0x8d: {  	s2 =	sadd.s32 s2, s17  }
0x8e: {  	[smem:$0x3FB9] =	sst s2  }
0x8f: {  	_ = 	snop  }
0x90: {  	s2 =	sld [smem:$0x3FC7]  }
0x91: {  	s18 =	sld [smem:$0x3FC6];
	(tm) =	ssettm $0x1  }
0x92: {  	s4 =	sld [smem:$0x3FFB];
	_ =	sdelay $0x3  }
0x93: {  	_ =	strace s4  }
0x94: {  	s4 =	sld [smem:$0x3FFC];
	_ =	sdelay $0x3  }
0x95: {  	_ =	strace s4  }
0x96: {  	s4 =	sld [smem:$0x3FFD];
	_ =	sdelay $0x3  }
0x97: {  	_ =	strace s4  }
0x98: {  	_ =	strace $0x8FFFFFFF  }
0x99: {  	s19 =	sld [smem:$0x3FDB];
	_ =	sdelay $0x1  }
0x9a: {  	s5 =	simm.s32 $_scs_section_size  }
0x9b: {  	s6 =	simm.s32 $_size__tile_overlayer_lowered;
	s7 =	simm.s32 $_tile_overlayer_lowered  }
0x9c: {  	s22 =	simm.s32 $0x1BFF;
	s21 =	sshll.u32 s7, $0x1;
	s4 =	sadd.s32 s5, s19  }
0x9d: {  	s8 =	simm.s32 $0x0;
	s20 =	sshll.u32 s6, $0x1;
	s6 =	sadd.s32 s21, s4  }
0x9e: {  	[timem:s8], [sflag:s22] =	dma.local [hbm:s6], s20  }
0x9f: {  	_ =	swait.ge [sflag:s22], s20  }
0xa0: {  	s5 =	ssub.s32 $0x0, s20;
	[sflag:s22] =	ssyncset.done $0x0  }
0xa1: {  	[sflag:s22] =	ssyncadd.s32 s5;
	_ =	sdelay $0x1  }
0xa2: {  	s23 =	simm.s32 $0x1B8B  }
0xa3: {  	_ =	swait.ge [sflag:s23], $0x1  }
0xa4: {  	[sflag:s23] =	ssyncset.done $0x0  }
0xa5: {  	s25 =	simm.s32 $0x1B8E;
	s24 =	sld [smem:$0x3FFE];
	[sflag:s23] =	ssyncadd.s32 $0xFFFFFFFF  }
0xa6: {  	s26 =	simm.s32 $execute0_lowered;
	[smem:$0x3FD2] =	sst s25  }
0xa7: {  	s6 =	sshll.u32 s26, $0x1;
	_ =	strace $0x80000046;
	[dreg:$0x1] =	wrdreg $0xFFFFFFFF  }
0xa8: {  	s28 =	simm.s32 $_size_execute0_lowered;
	s4 =	sadd.s32 s4, s6;
	[dreg:$0x0] =	wrdreg $0x0  }
0xa9: {  	s6 =	sshll.u32 s28, $0x1;
	[dreg:$0x2] =	wrdreg s4  }
0xaa: {  	[dreg:$0x3] =	wrdreg s6  }
0xab: {  	[dreg:$0x4] =	wrdreg $0xC0  }
0xac: {  	_ =	task [dreg:s8], $0x5FFFF  }
0xad: {  	[dreg:$0x1] =	wrdreg $0xFFFFFFFF  }
0xae: {  	[dreg:$0x0] =	wrdreg $0x60  }
0xaf: {  	[dreg:$0x2] =	wrdreg s24  }
0xb0: {  	[dreg:$0x3] =	wrdreg s18  }
0xb1: {  	[dreg:$0x4] =	wrdreg s2  }
0xb2: {  	[dreg:$0x5] =	wrdreg $0x9  }
0xb3: {  	_ =	task.clear_ibuf [dreg:s8], $0x6FFFF;
	_ =	strace $0x90000046  }
0xb4: {  	s29 =	simm.s32 $0x9;
	_ =	strace $0x80000048  }
0xb5: {  	_ =	swait.ge [sflag:s29], $0x1  }
0xb6: {  	[sflag:s29] =	ssyncadd.s32 $0xFFFFFFFF  }
0xb7: {  	_ =	strace $0x90000048  }
0xb8: {  	_ =	sfence  }
0xb9: {  	s30 =	sld [smem:$0x0];
	_ =	sdelay $0x2  }
0xba: {  	s31 =	sshll.u32 s1, $0xD;
	s1 =	sshrl.u32 s1, $0x2  }
0xbb: {  	s3 =	sand.u32 $0x4000, s31;
	s1 =	sadd.s32 s1, s30  }
0xbc: {  	s0 =	sor.u32 s3, s0;
	s1 =	sshll.u32 s1, $0x11  }
0xbd: {  	s0 =	sor.u32 s1, s0  }
0xbe: {  	s0 =	sadd.s32 $0x8F2B, s0  }
0xbf: {  	[sflag:s0] =	ssyncadd.remote.s32 $0x1  }
0xc0: {  	_ =	sfence.sel $0xFFFF  }
0xc1: {  	[dreg:$0x0] =	wrdreg $0xFFFFFFFF;
	(pc) =	sbr.abs _section_cstart, $3  }
0xc2: {  	[dreg:$0x1] =	wrdreg $0xFFFFFFFF  }
0xc3: {  	_ =	task.clear_ibuf [dreg:s8], $0x2FFFF;
	_ =	strace $0x9FFFFFFF  }
0xc4: {  	(tm) =	ssettm $0x7FFFFFFF  }
0xc5: {  	_ =	shalt  }
tec
execute0_lowered:
.L_overlay_start_1:
0x0: {  	(tag) =	ssettag $0x1  }
0x1: {  	s5 =	rddreg [dreg:$0x0]  }
0x2: {  	s9 =	rddreg [dreg:$0x1]  }
0x3: {  	s8 =	rddreg [dreg:$0x2]  }
0x4: {  	s0 =	rddreg [dreg:$0x3]  }
0x5: {  	s1 =	stileid.u32;
	s3 =	srdreg.scid;
	s2 =	simm.s32 $0x0  }
0x6: {  	s13 =	simm.s32 $0x7D0;
	s14 =	simm.s32 $0x4650;
	s6 =	smul.u32 $0x186A0, s1  }
0x7: {  	s15 =	simm.s32 $0x0;
	s4 =	sand.u32 $0x1, s3;
	s10 =	smul.u32 $0xC350, s1  }
0x8: {  	[smem:$0x7FF] =	sst s2;
	s3 =	sadd.s32 $0x1AE00, s5;
	s7 =	smul.u32 $0xC350, s4  }
0x9: {  	_ =	strace $0x80000047;
	s11 =	ssub.s32 $0x2, s4;
	s12 =	smul.u32 $0x61A8, s4  }
0xa: {  	s4 =	sadd.s32 $0x2600, s5;
	s5 =	sadd.s32 s6, s5;
	s31 =	sshrl.u32 s11, $0x1  }
0xb: {  	s6 =	ssub.s32 s11, s31;
	s7 =	sadd.s32 s7, s5;
	s10 =	sadd.s32 s12, s10  }
0xc: {  	s11 =	simm.s32 $0x1;
	s12 =	simm.s32 $0x2;
	s5 =	smax.u32 s6, $0x1  }
0xd: {  	s6 =	sadd.s32 $0x33600, s7;
	s10 =	sshrl.u32 s10, $0x3;
	s7 =	sadd.s32 $0x1BA000, s7  }
0xe: {  	s8 =	sadd.s32 s10, s8;
	s9 =	sadd.s32 s10, s9;
	s10 =	simm.s32 $0x3E8  }
.LBB2_1:
0xf: {  	s16 =	sadd.s32 $0x0, s9  }
0x10: {  	[tilespmem:s2], [sflag:$0x1] =	stream.linear.gather [hbm4b:s16+s2], $0x3E8, $0x38;
	[tilespmem:$0x84D0] =	vst v63  }
0x11: {  	s31 =	sadd.s32 $0x0, s8  }
0x12: {  	[tilespmem:s10], [sflag:$0x2] =	stream.linear.gather [hbm4b:s31+s2], $0x3E8, $0x38;
	[tilespmem:$0x84D0] =	vst v63  }
0x13: {  	_ =	swait.ge [sflag:s11], $0x3E8  }
0x14: {  	[sflag:s11] =	ssyncset.done $0x0  }
0x15: {  	[sflag:s11] =	ssyncadd.s32 $0xFFFFFC18  }
0x16: {  	_ =	swait.ge [sflag:s12], $0x3E8  }
0x17: {  	[sflag:s12] =	ssyncset.done $0x0  }
0x18: {  	[sflag:s12] =	ssyncadd.s32 $0xFFFFFC18  }
0x19: {  	[tilespmem:s13], [sflag:$0x1] =	stream.indirect.gather [hbm4b:s3+s10], $0x10, s2, s10, $0xb8;
	[tilespmem:$0x84D0] =	vst v63  }
0x1a: {  	_ = 	snop  }
0x1b: {  	[tilespmem:s14], [sflag:$0x2] =	stream.indirect.gather [hbm4b:s4+s10], $0x10, s10, s10, $0xb8;
	[tilespmem:$0x84D0] =	vst v63  }
0x1c: {  	_ =	swait.ge [sflag:s11], $0x3E80  }
0x1d: {  	[sflag:s11] =	ssyncset.done $0x0  }
0x1e: {  	[sflag:s11] =	ssyncadd.s32 $0xFFFFC180  }
0x1f: {  	_ =	swait.ge [sflag:s12], $0x3E80  }
0x20: {  	[sflag:s12] =	ssyncset.done $0x0  }
0x21: {  	[sflag:s12] =	ssyncadd.s32 $0xFFFFC180  }
0x22: {  	[hbm4b:s7+s2] =	stream.linear.scatter [tilespmem:s13], [sflag:$0x1], $0x3E80, $0x38;
	[tilespmem:$0x84D0] =	vst v63  }
0x23: {  	_ = 	snop  }
0x24: {  	[hbm4b:s6+s2] =	stream.linear.scatter [tilespmem:s14], [sflag:$0x2], $0x3E80, $0x38;
	[tilespmem:$0x84D0] =	vst v63  }
0x25: {  	_ =	swait.ge [sflag:s11], $0x3E80  }
0x26: {  	[sflag:s11] =	ssyncset.done $0x0  }
0x27: {  	[sflag:s11] =	ssyncadd.s32 $0xFFFFC180  }
0x28: {  	s18 =	simm.s32 $0x7D;
	s19 =	simm.s32 $0xFA;
	_ =	swait.ge [sflag:s12], $0x3E80  }
0x29: {  	s17 =	sadd.s32 $0x7D0, s7;
	s16 =	sadd.s32 $0x7D0, s6;
	[sflag:s12] =	ssyncset.done $0x0  }
.LBB2_2:
0x2a: {  	s20 =	sadd.s32 s18, s9  }
0x2b: {  	[sflag:s12] =	ssyncadd.s32 $0xFFFFC180;
	s21 =	smov.u32 s19;
	s22 =	sadd.s32 $0x7D, s19  }
0x2c: {  	[tilespmem:s2], [sflag:$0x1] =	stream.linear.gather [hbm4b:s20+s2], $0x3E8, $0x38;
	[tilespmem:$0x84D0] =	vst v63  }
0x2d: {  	p0 =	sne.s32 s19, $0xBB8;
	s19 =	sadd.s32 s18, s8;
	s18 =	smov.u32 s21  }
0x2e: {  	[tilespmem:s10], [sflag:$0x2] =	stream.linear.gather [hbm4b:s19+s2], $0x3E8, $0x38;
	[tilespmem:$0x84D0] =	vst v63  }
0x2f: {  	_ =	swait.ge [sflag:s11], $0x3E8  }
0x30: {  	[sflag:s11] =	ssyncset.done $0x0  }
0x31: {  	[sflag:s11] =	ssyncadd.s32 $0xFFFFFC18  }
0x32: {  	_ =	swait.ge [sflag:s12], $0x3E8  }
0x33: {  	[sflag:s12] =	ssyncset.done $0x0  }
0x34: {  	[sflag:s12] =	ssyncadd.s32 $0xFFFFFC18  }
0x35: {  	[tilespmem:s13], [sflag:$0x1] =	stream.indirect.gather [hbm4b:s3+s10], $0x10, s2, s10, $0xb8;
	[tilespmem:$0x84D0] =	vst v63  }
0x36: {  	_ = 	snop  }
0x37: {  	[tilespmem:s14], [sflag:$0x2] =	stream.indirect.gather [hbm4b:s4+s10], $0x10, s10, s10, $0xb8;
	[tilespmem:$0x84D0] =	vst v63  }
0x38: {  	_ =	swait.ge [sflag:s11], $0x3E80  }
0x39: {  	[sflag:s11] =	ssyncset.done $0x0  }
0x3a: {  	[sflag:s11] =	ssyncadd.s32 $0xFFFFC180  }
0x3b: {  	_ =	swait.ge [sflag:s12], $0x3E80  }
0x3c: {  	[sflag:s12] =	ssyncset.done $0x0  }
0x3d: {  	[sflag:s12] =	ssyncadd.s32 $0xFFFFC180  }
0x3e: {  	[hbm4b:s17+s2] =	stream.linear.scatter [tilespmem:s13], [sflag:$0x1], $0x3E80, $0x38;
	[tilespmem:$0x84D0] =	vst v63  }
0x3f: {  	_ = 	snop  }
0x40: {  	[hbm4b:s16+s2] =	stream.linear.scatter [tilespmem:s14], [sflag:$0x2], $0x3E80, $0x38;
	[tilespmem:$0x84D0] =	vst v63  }
.Ltmp0:
0x41: {  	_ =	swait.ge [sflag:s11], $0x3E80;
	(pc) =	sbr.rel @p0 .LBB2_2-.Ltmp0, $4  }
0x42: {  	[sflag:s11] =	ssyncset.done $0x0  }
0x43: {  	[sflag:s11] =	ssyncadd.s32 $0xFFFFC180  }
0x44: {  	s19 =	smov.u32 s22;
	_ =	swait.ge [sflag:s12], $0x3E80  }
0x45: {  	s17 =	sadd.s32 $0x7D0, s17;
	s16 =	sadd.s32 $0x7D0, s16;
	[sflag:s12] =	ssyncset.done $0x0  }
0x46: {  	s19 =	sadd.s32 s18, s9;
	[sflag:s12] =	ssyncadd.s32 $0xFFFFC180  }
0x47: {  	[tilespmem:s2], [sflag:$0x1] =	stream.linear.gather [hbm4b:s19+s2], $0x3E8, $0x38;
	[tilespmem:$0x84D0] =	vst v63  }
0x48: {  	s31 =	sadd.s32 s18, s8  }
0x49: {  	[tilespmem:s10], [sflag:$0x2] =	stream.linear.gather [hbm4b:s31+s2], $0x3E8, $0x38;
	[tilespmem:$0x84D0] =	vst v63  }
0x4a: {  	_ =	swait.ge [sflag:s11], $0x3E8  }
0x4b: {  	[sflag:s11] =	ssyncset.done $0x0  }
0x4c: {  	[sflag:s11] =	ssyncadd.s32 $0xFFFFFC18  }
0x4d: {  	_ =	swait.ge [sflag:s12], $0x3E8  }
0x4e: {  	[sflag:s12] =	ssyncset.done $0x0  }
0x4f: {  	[sflag:s12] =	ssyncadd.s32 $0xFFFFFC18  }
0x50: {  	[tilespmem:s13], [sflag:$0x1] =	stream.indirect.gather [hbm4b:s3+s10], $0x10, s2, s10, $0xb8;
	[tilespmem:$0x84D0] =	vst v63  }
0x51: {  	_ = 	snop  }
0x52: {  	[tilespmem:s14], [sflag:$0x2] =	stream.indirect.gather [hbm4b:s4+s10], $0x10, s10, s10, $0xb8;
	[tilespmem:$0x84D0] =	vst v63  }
0x53: {  	_ =	swait.ge [sflag:s11], $0x3E80  }
0x54: {  	[sflag:s11] =	ssyncset.done $0x0  }
0x55: {  	[sflag:s11] =	ssyncadd.s32 $0xFFFFC180  }
0x56: {  	_ =	swait.ge [sflag:s12], $0x3E80  }
0x57: {  	[sflag:s12] =	ssyncset.done $0x0  }
0x58: {  	[sflag:s12] =	ssyncadd.s32 $0xFFFFC180  }
0x59: {  	[hbm4b:s17+s2] =	stream.linear.scatter [tilespmem:s13], [sflag:$0x1], $0x3E80, $0x38;
	[tilespmem:$0x84D0] =	vst v63  }
0x5a: {  	s15 =	sadd.s32 $0x1, s15  }
0x5b: {  	[hbm4b:s16+s2] =	stream.linear.scatter [tilespmem:s14], [sflag:$0x2], $0x3E80, $0x38;
	[tilespmem:$0x84D0] =	vst v63  }
0x5c: {  	p0 =	sne.s32 s15, s5;
	_ =	swait.ge [sflag:s11], $0x3E80  }
.Ltmp1:
0x5d: {  	[sflag:s11] =	ssyncset.done $0x0;
	(pc) =	sbr.rel @p0 .LBB2_1-.Ltmp1, $4  }
0x5e: {  	[sflag:s11] =	ssyncadd.s32 $0xFFFFC180  }
0x5f: {  	_ =	swait.ge [sflag:s12], $0x3E80  }
0x60: {  	[sflag:s12] =	ssyncset.done $0x0  }
0x61: {  	[sflag:s12] =	ssyncadd.s32 $0xFFFFC180  }
0x62: {  	_ =	sfence.sel $0x180000  }
0x63: {  	[bflag:$0x0] =	sbarrier.arrive $0xFFFF  }
0x64: {  	p0 =	sne.s32 s1, $0x0;
	_ =	strace $0x90000047  }
0x65: {  	s0 =	sadd.s32 @!p0 $0x100000, s0;
	[bflag:$0x2] =	sbarrier.arrive $0xFFFF  }
0x66: {  	[sflag:s0] =	ssyncadd.tile.s32 @!p0 $0x1;
	_ =	shalt  }
.Lfunc_end2:
_tile_overlayer_lowered:
.L_overlay_start_2:
0x67: {  	(tag) =	ssettag $0x2  }
0x68: {  	s0 =	rddreg [dreg:$0x0];
	s2 =	stileid.u32  }
0x69: {  	s1 =	rddreg [dreg:$0x1];
	p0 =	sne.s32 s2, $0x0  }
0x6a: {  	s3 =	rddreg [dreg:$0x2];
	[bflag:$0x3] =	sbarrier.arrive $0xFFFF;
	s2 =	simm.s32 @!p0 $0x1C03  }
0x6b: {  	[timem:s3], [sflag:s2] =	dma.local @!p0 [hbm:s0], s1  }
0x6c: {  	s0 =	simm.s32 @!p0 $0x3  }
0x6d: {  	_ =	swait.ge @!p0 [sflag:s0], s1  }
0x6e: {  	s1 =	ssub.s32 @!p0 $0x0, s1;
	[sflag:s0] =	ssyncset.done @!p0 $0x0  }
0x6f: {  	[sflag:s0] =	ssyncadd.s32 @!p0 s1  }
0x70: {  	[bflag:$0x3] =	sbarrier.arrive $0xFFFF  }
0x71: {  	_ =	shalt  }

</sc_bundles>
